<compile_context>
chip_gen: v7x
topology: tpu7x:2x2x1
jax: 0.10.2.dev20260603
libtpu: 0.0.44.dev20260713+nightly
codegen_flags: <defaults>
</compile_context>

<pallas_src>
import functools
import math

import jax
import jax.numpy as jnp
from jax import lax
from jax.experimental import pallas as pl
from jax.experimental.pallas import tpu as pltpu
from jax.experimental.pallas import tpu_sc as plsc

NUM_E = 32
HIDDEN = 768
SEQ = 32
BATCH = 4096

NC, NS = 2, 16
NW = NC * NS
ROWS = BATCH * SEQ
RPW = ROWS // NW
CH = 64
NCH = RPW // CH

_SQRT_HALF = math.sqrt(0.5)


def _mlp_body(tab, w1, b1, g, bb, w2, b2, out):
    x = tab[...]
    h = jnp.dot(x, w1[...], preferred_element_type=jnp.float32,
                precision=lax.Precision.HIGHEST) + b1[...]
    mu = jnp.mean(h, axis=-1, keepdims=True)
    var = jnp.mean((h - mu) ** 2, axis=-1, keepdims=True)
    h = (h - mu) * lax.rsqrt(var + 1e-5) * g[...] + bb[...]
    h = 0.5 * h * (1.0 + lax.erf(h * _SQRT_HALF))
    out[...] = jnp.dot(h, w2[...], preferred_element_type=jnp.float32,
                       precision=lax.Precision.HIGHEST) + b2[...]


def _mlp(tab, w1, b1, g, bb, w2, b2):
    return pl.pallas_call(
        _mlp_body,
        out_shape=jax.ShapeDtypeStruct((NUM_E, HIDDEN), jnp.float32),
    )(tab, w1, b1, g, bb, w2, b2)


@functools.cache
def _make_expand():
    mesh = plsc.VectorSubcoreMesh(core_axis_name="c", subcore_axis_name="s",
                                  num_cores=NC, num_subcores=NS)

    @functools.partial(
        pl.kernel,
        out_type=jax.ShapeDtypeStruct((ROWS, HIDDEN), jnp.float32),
        mesh=mesh,
        scratch_types=[
            pltpu.VMEM((RPW,), jnp.int32),
            pltpu.VMEM((CH, HIDDEN), jnp.float32),
            pltpu.SemaphoreType.DMA,
        ],
    )
    def _expand(ptab_hbm, idx_hbm, out_hbm, idx_v, rows_v, sem):
        wid = lax.axis_index("s") * NC + lax.axis_index("c")
        base = wid * RPW
        pltpu.sync_copy(idx_hbm.at[pl.ds(base, RPW)], idx_v)

        def chunk(c, carry):
            pltpu.async_copy(
                ptab_hbm.at[idx_v.at[pl.ds(c * CH, CH)]], rows_v, sem).wait()
            pltpu.sync_copy(rows_v, out_hbm.at[pl.ds(base + c * CH, CH)])
            return carry

        lax.fori_loop(0, NCH, chunk, 0)

    return _expand


BB = 128
NB = BATCH // BB


def _fused_body(ids_ref, tab_ref, w1_ref, b1_ref, g_ref, bb_ref, w2_ref,
                b2_ref, out_ref, ptab_scr):
    i = pl.program_id(0)

    @pl.when(i == 0)
    def _():
        _mlp_body(tab_ref, w1_ref, b1_ref, g_ref, bb_ref, w2_ref, b2_ref,
                  ptab_scr)

    ids_blk = ids_ref[0, pl.ds(i * BB, BB)]
    onehot = (ids_blk[:, None] == lax.broadcasted_iota(
        jnp.int32, (BB, NUM_E), 1)).astype(jnp.float32)
    g = jnp.dot(onehot, ptab_scr[...], preferred_element_type=jnp.float32,
                precision=lax.Precision.HIGHEST)
    for s in range(SEQ):
        out_ref[:, s, :] = g


def _fused(ids, tab, w1, b1, g, bb, w2, b2):
    whole = lambda shape: pl.BlockSpec(shape, lambda i: tuple(0 for _ in shape))
    return pl.pallas_call(
        _fused_body,
        grid=(NB,),
        in_specs=[
            whole((1, BATCH)),
            whole((NUM_E, HIDDEN)),
            whole((HIDDEN, HIDDEN)),
            whole((1, HIDDEN)),
            whole((1, HIDDEN)),
            whole((1, HIDDEN)),
            whole((HIDDEN, HIDDEN)),
            whole((1, HIDDEN)),
        ],
        out_specs=pl.BlockSpec((BB, SEQ, HIDDEN), lambda i: (i, 0, 0)),
        out_shape=jax.ShapeDtypeStruct((BATCH, SEQ, HIDDEN), jnp.float32),
        scratch_shapes=[pltpu.VMEM((NUM_E, HIDDEN), jnp.float32)],
    )(ids.reshape(1, BATCH), tab, w1, b1, g, bb, w2, b2)


@functools.cache
def _make_expand_pipe(rows_total):
    rpw = rows_total // NW
    nch = rpw // CH
    n2 = nch // 2
    mesh = plsc.VectorSubcoreMesh(core_axis_name="c", subcore_axis_name="s",
                                  num_cores=NC, num_subcores=NS)

    @functools.partial(
        pl.kernel,
        out_type=jax.ShapeDtypeStruct((rows_total, HIDDEN), jnp.float32),
        mesh=mesh,
        scratch_types=[
            pltpu.VMEM((rpw,), jnp.int32),
            pltpu.VMEM((CH, HIDDEN), jnp.float32),
            pltpu.VMEM((CH, HIDDEN), jnp.float32),
            pltpu.SemaphoreType.DMA,
            pltpu.SemaphoreType.DMA,
            pltpu.SemaphoreType.DMA,
            pltpu.SemaphoreType.DMA,
        ],
    )
    def _expand(ptab_hbm, idx_hbm, out_hbm, idx_v, rows0, rows1,
                gs0, gs1, ws0, ws1):
        wid = lax.axis_index("s") * NC + lax.axis_index("c")
        base = wid * rpw
        pltpu.sync_copy(idx_hbm.at[pl.ds(base, rpw)], idx_v)
        bufs = (rows0, rows1)
        gsems = (gs0, gs1)
        wsems = (ws0, ws1)

        def start_gather(c, k):
            pltpu.async_copy(ptab_hbm.at[idx_v.at[pl.ds(c * CH, CH)]],
                             bufs[k], gsems[k])

        def wait_gather(c, k):
            pltpu.make_async_copy(ptab_hbm.at[idx_v.at[pl.ds(c * CH, CH)]],
                                  bufs[k], gsems[k]).wait()

        def start_write(c, k):
            pltpu.async_copy(bufs[k], out_hbm.at[pl.ds(base + c * CH, CH)],
                             wsems[k])

        def wait_write(c, k):
            pltpu.make_async_copy(bufs[k], out_hbm.at[pl.ds(base + c * CH, CH)],
                                  wsems[k]).wait()

        start_gather(0, 0)
        start_gather(1, 1)

        def body(i, carry):
            a = 2 * i
            b = a + 1
            wait_gather(a, 0)
            start_write(a, 0)
            wait_gather(b, 1)
            start_write(b, 1)

            @pl.when(i + 1 < n2)
            def _():
                wait_write(a, 0)
                start_gather(a + 2, 0)
                wait_write(b, 1)
                start_gather(b + 2, 1)

            return carry

        lax.fori_loop(0, n2, body, 0)
        wait_write(nch - 2, 0)
        wait_write(nch - 1, 1)

    return _expand


SB = 1024
TB = BATCH - SB


def _expand_tc(ptab, ids, tb):
    return pl.pallas_call(
        functools.partial(_expand_tc_body, tb=tb),
        grid=(tb // BB,),
        in_specs=[
            pl.BlockSpec((1, tb), lambda i: (0, 0)),
            pl.BlockSpec((NUM_E, HIDDEN), lambda i: (0, 0)),
        ],
        out_specs=pl.BlockSpec((BB, SEQ, HIDDEN), lambda i: (i, 0, 0)),
        out_shape=jax.ShapeDtypeStruct((tb, SEQ, HIDDEN), jnp.float32),
    )(ids.reshape(1, tb), ptab)


def _expand_tc_body(ids_ref, ptab_ref, out_ref, *, tb):
    i = pl.program_id(0)
    ids_blk = ids_ref[0, pl.ds(i * BB, BB)]
    onehot = (ids_blk[:, None] == lax.broadcasted_iota(
        jnp.int32, (BB, NUM_E), 1)).astype(jnp.float32)
    g = jnp.dot(onehot, ptab_ref[...], preferred_element_type=jnp.float32,
                precision=lax.Precision.HIGHEST)
    for s in range(SEQ):
        out_ref[:, s, :] = g


def kernel(emotion_ids, embed_table, W1, b1, ln_g, ln_b, W2, b2):
    ids = emotion_ids.astype(jnp.int32)
    ptab = _mlp(embed_table, W1, b1.reshape(1, HIDDEN), ln_g.reshape(1, HIDDEN),
                ln_b.reshape(1, HIDDEN), W2, b2.reshape(1, HIDDEN))
    tc_out = _expand_tc(ptab, ids[:TB], TB)
    idx_sc = jnp.repeat(ids[TB:], SEQ)
    sc_out = _make_expand_pipe(SB * SEQ)(ptab, idx_sc)
    return jnp.concatenate([tc_out, sc_out.reshape(SB, SEQ, HIDDEN)], axis=0)

# --- scband reference (transcript-rebuilt; emitter-appended) ---
"""Pipeline reference for scband-emotion-embedding-30322469109848 (READ-ONLY COPY).

The authoritative reference and input builder live on the scoring server;
editing this copy changes nothing except your own understanding.
"""

import jax, jax.numpy as jnp
import numpy as np

NUM_EMOTIONS = 32
HIDDEN = 768
SEQ_LEN = 32
BATCH = 4096


def setup_inputs(seed: int = 0) -> dict:
    key = jax.random.key(seed)
    ks = jax.random.split(key, 8)
    emotion_ids = jax.random.randint(ks[0], (BATCH,), 0, NUM_EMOTIONS, dtype=jnp.int64 if jax.config.jax_enable_x64 else jnp.int32)
    embed_table = jax.random.normal(ks[1], (NUM_EMOTIONS, HIDDEN), dtype=jnp.float32)
    W1 = jax.random.normal(ks[2], (HIDDEN, HIDDEN), dtype=jnp.float32) * (1.0 / np.sqrt(HIDDEN))
    b1 = jnp.zeros((HIDDEN,), dtype=jnp.float32)
    ln_g = jnp.ones((HIDDEN,), dtype=jnp.float32)
    ln_b = jnp.zeros((HIDDEN,), dtype=jnp.float32)
    W2 = jax.random.normal(ks[3], (HIDDEN, HIDDEN), dtype=jnp.float32) * (1.0 / np.sqrt(HIDDEN))
    b2 = jnp.zeros((HIDDEN,), dtype=jnp.float32)
    return {"emotion_ids": emotion_ids, "embed_table": embed_table, "W1": W1, "b1": b1,
            "ln_g": ln_g, "ln_b": ln_b, "W2": W2, "b2": b2}


def reference(emotion_ids, embed_table, W1, b1, ln_g, ln_b, W2, b2):
    # nn.Embedding lookup -> gather
    x = jnp.take(embed_table, emotion_ids, axis=0)            # [B, H]
    # Linear 1
    h = x @ W1 + b1                                           # [B, H]
    # LayerNorm (eps=1e-5, biased variance, like torch)
    mu = jnp.mean(h, axis=-1, keepdims=True)
    var = jnp.var(h, axis=-1, keepdims=True)
    h = (h - mu) / jnp.sqrt(var + 1e-5) * ln_g + ln_b
    # GELU (torch default = exact erf form)
    h = jax.nn.gelu(h, approximate=False)
    # Linear 2
    h = h @ W2 + b2                                           # [B, H]
    # unsqueeze(1).expand(-1, seq_len, -1)
    out = jnp.broadcast_to(h[:, None, :], (h.shape[0], SEQ_LEN, h.shape[1]))
    return out

if __name__ == "__main__":
    import jax
    _d = setup_inputs()
    print(jax.jit(kernel)(*tuple(_d.values())))

</pallas_src>

<mosaic_0001>
#map = affine_map<(d0, d1) -> (0, 0)>
#map1 = affine_map<(d0, d1) -> (0)>
module attributes {stable_mosaic.version = 14 : i64} {
  func.func @_expand(%arg0: i32, %arg1: i32, %arg2: memref<32x768xf32, #tpu.memory_space<hbm>>, %arg3: memref<32768xi32, #tpu.memory_space<hbm>>, %arg4: memref<32768x768xf32, #tpu.memory_space<hbm>>, %arg5: memref<1024xi32, #tpu.memory_space<vmem>>, %arg6: memref<64x768xf32, #tpu.memory_space<vmem>>, %arg7: memref<64x768xf32, #tpu.memory_space<vmem>>, %arg8: memref<!tpu.dma_semaphore, #tpu.memory_space<semaphore_mem>>, %arg9: memref<!tpu.dma_semaphore, #tpu.memory_space<semaphore_mem>>, %arg10: memref<!tpu.dma_semaphore, #tpu.memory_space<semaphore_mem>>, %arg11: memref<!tpu.dma_semaphore, #tpu.memory_space<semaphore_mem>>) attributes {dimension_semantics = [#tpu.dimension_semantics<core_parallel>, #tpu.dimension_semantics<subcore_parallel>], iteration_bounds = array<i64: 2, 16>, scalar_prefetch = 0 : i64, scratch_operands = 7 : i64, tpu.core_type = #tpu.core_type<sc_vector_subcore>, window_params = [{transform_indices = #map}, {transform_indices = #map1}, {transform_indices = #map}]} {
    %mul3A = arith.constant 2 : i32
    %mul3A_0 = arith.muli %arg1, %mul3A : i32
    %add3A = arith.addi %mul3A_0, %arg0 : i32
    %mul3A_1 = arith.constant 1024 : i32
    %mul3A_2 = arith.muli %add3A, %mul3A_1 : i32
    "tpu.region"() ({
      %run_scoped3A = tpu.sem_alloc : memref<!tpu.dma_semaphore, #tpu.memory_space<semaphore_mem>>
      %dma_start3A_28 = tpu.memref_slice %arg3[%mul3A_2] : memref<32768xi32, #tpu.memory_space<hbm>> -> memref<1024xi32, #tpu.memory_space<hbm>>
      %dma_start3A_29 = tpu.memref_slice %arg3[%mul3A_2] : memref<32768xi32, #tpu.memory_space<hbm>> -> memref<1024xi32, #tpu.memory_space<hbm>>
      tpu.enqueue_dma source(%dma_start3A_29 : memref<1024xi32, #tpu.memory_space<hbm>>) target(%arg5 : memref<1024xi32, #tpu.memory_space<vmem>>) target_semaphore(%run_scoped3A : memref<!tpu.dma_semaphore, #tpu.memory_space<semaphore_mem>>)
      %dma_wait3A_30 = tpu.memref_slice %arg3[%mul3A_2] : memref<32768xi32, #tpu.memory_space<hbm>> -> memref<1024xi32, #tpu.memory_space<hbm>>
      %dma_wait3A_31 = tpu.memref_slice %arg3[%mul3A_2] : memref<32768xi32, #tpu.memory_space<hbm>> -> memref<1024xi32, #tpu.memory_space<hbm>>
      tpu.wait_dma2 semaphore(%run_scoped3A : memref<!tpu.dma_semaphore, #tpu.memory_space<semaphore_mem>>) src(%dma_wait3A_31 : memref<1024xi32, #tpu.memory_space<hbm>>) dst(%arg5 : memref<1024xi32, #tpu.memory_space<vmem>>)
      tpu.yield
    }) : () -> ()
    %dma_start3A = arith.constant 0 : i32
    %dma_start3A_3 = tpu.memref_slice %arg5[%dma_start3A] : memref<1024xi32, #tpu.memory_space<vmem>> -> memref<64xi32, #tpu.memory_space<vmem>>
    %dma_start3A_4 = arith.constant 0 : i32
    %dma_start3A_5 = arith.constant 0 : i32
    %dma_start3A_6 = tpu.memref_slice %arg2[%dma_start3A_4, %dma_start3A_5] : memref<32x768xf32, #tpu.memory_space<hbm>> -> memref<32x768xf32, #tpu.memory_space<hbm>>
    tpu.enqueue_indirect_dma source(%dma_start3A_6 : memref<32x768xf32, #tpu.memory_space<hbm>>) target(%arg6 : memref<64x768xf32, #tpu.memory_space<vmem>>) offsets(%dma_start3A_3 : memref<64xi32, #tpu.memory_space<vmem>>) semaphore(%arg8 : memref<!tpu.dma_semaphore, #tpu.memory_space<semaphore_mem>>)
    %dma_start3A_7 = arith.constant 64 : i32
    %dma_start3A_8 = tpu.memref_slice %arg5[%dma_start3A_7] : memref<1024xi32, #tpu.memory_space<vmem>> -> memref<64xi32, #tpu.memory_space<vmem>>
    %dma_start3A_9 = arith.constant 0 : i32
    %dma_start3A_10 = arith.constant 0 : i32
    %dma_start3A_11 = tpu.memref_slice %arg2[%dma_start3A_9, %dma_start3A_10] : memref<32x768xf32, #tpu.memory_space<hbm>> -> memref<32x768xf32, #tpu.memory_space<hbm>>
    tpu.enqueue_indirect_dma source(%dma_start3A_11 : memref<32x768xf32, #tpu.memory_space<hbm>>) target(%arg7 : memref<64x768xf32, #tpu.memory_space<vmem>>) offsets(%dma_start3A_8 : memref<64xi32, #tpu.memory_space<vmem>>) semaphore(%arg9 : memref<!tpu.dma_semaphore, #tpu.memory_space<semaphore_mem>>)
    %scan3A = arith.constant 0 : i32
    %scan3A_12 = arith.constant 0 : i32
    %scan3A_13 = arith.constant 8 : i32
    %scan3A_14 = arith.addi %scan3A_12, %scan3A_13 : i32
    %scan3A_15 = arith.constant 1 : i32
    scf.for %scan3A_28 = %scan3A_12 to %scan3A_14 step %scan3A_15  : i32 {
      %mul3A_29 = arith.constant 2 : i32
      %mul3A_30 = arith.muli %mul3A_29, %scan3A_28 : i32
      %add3A_31 = arith.constant 1 : i32
      %add3A_32 = arith.addi %mul3A_30, %add3A_31 : i32
      %mul3A_33 = arith.constant 64 : i32
      %mul3A_34 = arith.muli %mul3A_30, %mul3A_33 : i32
      %dma_wait3A_35 = tpu.memref_slice %arg5[%mul3A_34] : memref<1024xi32, #tpu.memory_space<vmem>> -> memref<64xi32, #tpu.memory_space<vmem>>
      %dma_wait3A_36 = arith.constant 0 : i32
      %dma_wait3A_37 = arith.constant 0 : i32
      %dma_wait3A_38 = tpu.memref_slice %arg2[%dma_wait3A_36, %dma_wait3A_37] : memref<32x768xf32, #tpu.memory_space<hbm>> -> memref<32x768xf32, #tpu.memory_space<hbm>>
      tpu.wait_indirect_dma semaphore(%arg8 : memref<!tpu.dma_semaphore, #tpu.memory_space<semaphore_mem>>) src(%dma_wait3A_38 : memref<32x768xf32, #tpu.memory_space<hbm>>) dst(%arg6 : memref<64x768xf32, #tpu.memory_space<vmem>>)
      %mul3A_39 = arith.constant 64 : i32
      %mul3A_40 = arith.muli %mul3A_30, %mul3A_39 : i32
      %add3A_41 = arith.addi %mul3A_2, %mul3A_40 : i32
      %dma_start3A_42 = arith.constant 0 : i32
      %dma_start3A_43 = tpu.memref_slice %arg4[%add3A_41, %dma_start3A_42] : memref<32768x768xf32, #tpu.memory_space<hbm>> -> memref<64x768xf32, #tpu.memory_space<hbm>>
      %dma_start3A_44 = arith.constant 0 : i32
      %dma_start3A_45 = tpu.memref_slice %arg4[%add3A_41, %dma_start3A_44] : memref<32768x768xf32, #tpu.memory_space<hbm>> -> memref<64x768xf32, #tpu.memory_space<hbm>>
      tpu.enqueue_dma source(%arg6 : memref<64x768xf32, #tpu.memory_space<vmem>>) target(%dma_start3A_45 : memref<64x768xf32, #tpu.memory_space<hbm>>) target_semaphore(%arg10 : memref<!tpu.dma_semaphore, #tpu.memory_space<semaphore_mem>>)
      %mul3A_46 = arith.constant 64 : i32
      %mul3A_47 = arith.muli %add3A_32, %mul3A_46 : i32
      %dma_wait3A_48 = tpu.memref_slice %arg5[%mul3A_47] : memref<1024xi32, #tpu.memory_space<vmem>> -> memref<64xi32, #tpu.memory_space<vmem>>
      %dma_wait3A_49 = arith.constant 0 : i32
      %dma_wait3A_50 = arith.constant 0 : i32
      %dma_wait3A_51 = tpu.memref_slice %arg2[%dma_wait3A_49, %dma_wait3A_50] : memref<32x768xf32, #tpu.memory_space<hbm>> -> memref<32x768xf32, #tpu.memory_space<hbm>>
      tpu.wait_indirect_dma semaphore(%arg9 : memref<!tpu.dma_semaphore, #tpu.memory_space<semaphore_mem>>) src(%dma_wait3A_51 : memref<32x768xf32, #tpu.memory_space<hbm>>) dst(%arg7 : memref<64x768xf32, #tpu.memory_space<vmem>>)
      %mul3A_52 = arith.constant 64 : i32
      %mul3A_53 = arith.muli %add3A_32, %mul3A_52 : i32
      %add3A_54 = arith.addi %mul3A_2, %mul3A_53 : i32
      %dma_start3A_55 = arith.constant 0 : i32
      %dma_start3A_56 = tpu.memref_slice %arg4[%add3A_54, %dma_start3A_55] : memref<32768x768xf32, #tpu.memory_space<hbm>> -> memref<64x768xf32, #tpu.memory_space<hbm>>
      %dma_start3A_57 = arith.constant 0 : i32
      %dma_start3A_58 = tpu.memref_slice %arg4[%add3A_54, %dma_start3A_57] : memref<32768x768xf32, #tpu.memory_space<hbm>> -> memref<64x768xf32, #tpu.memory_space<hbm>>
      tpu.enqueue_dma source(%arg7 : memref<64x768xf32, #tpu.memory_space<vmem>>) target(%dma_start3A_58 : memref<64x768xf32, #tpu.memory_space<hbm>>) target_semaphore(%arg11 : memref<!tpu.dma_semaphore, #tpu.memory_space<semaphore_mem>>)
      %add3A_59 = arith.constant 1 : i32
      %add3A_60 = arith.addi %scan3A_28, %add3A_59 : i32
      %lt3A = arith.constant 8 : i32
      %lt3A_61 = arith.cmpi slt, %add3A_60, %lt3A : i32
      %convert_element_type3A = arith.extui %lt3A_61 : i1 to i32
      %cond3A = arith.constant 0 : i32
      %cond3A_62 = arith.cmpi ne, %convert_element_type3A, %cond3A : i32
      scf.if %cond3A_62 {
        %mul3A_63 = arith.constant 64 : i32
        %mul3A_64 = arith.muli %mul3A_30, %mul3A_63 : i32
        %add3A_65 = arith.addi %mul3A_2, %mul3A_64 : i32
        %dma_wait3A_66 = arith.constant 0 : i32
        %dma_wait3A_67 = tpu.memref_slice %arg4[%add3A_65, %dma_wait3A_66] : memref<32768x768xf32, #tpu.memory_space<hbm>> -> memref<64x768xf32, #tpu.memory_space<hbm>>
        %dma_wait3A_68 = arith.constant 0 : i32
        %dma_wait3A_69 = tpu.memref_slice %arg4[%add3A_65, %dma_wait3A_68] : memref<32768x768xf32, #tpu.memory_space<hbm>> -> memref<64x768xf32, #tpu.memory_space<hbm>>
        tpu.wait_dma2 semaphore(%arg10 : memref<!tpu.dma_semaphore, #tpu.memory_space<semaphore_mem>>) src(%arg6 : memref<64x768xf32, #tpu.memory_space<vmem>>) dst(%dma_wait3A_69 : memref<64x768xf32, #tpu.memory_space<hbm>>)
        %add3A_70 = arith.constant 2 : i32
        %add3A_71 = arith.addi %mul3A_30, %add3A_70 : i32
        %mul3A_72 = arith.constant 64 : i32
        %mul3A_73 = arith.muli %add3A_71, %mul3A_72 : i32
        %dma_start3A_74 = tpu.memref_slice %arg5[%mul3A_73] : memref<1024xi32, #tpu.memory_space<vmem>> -> memref<64xi32, #tpu.memory_space<vmem>>
        %dma_start3A_75 = arith.constant 0 : i32
        %dma_start3A_76 = arith.constant 0 : i32
        %dma_start3A_77 = tpu.memref_slice %arg2[%dma_start3A_75, %dma_start3A_76] : memref<32x768xf32, #tpu.memory_space<hbm>> -> memref<32x768xf32, #tpu.memory_space<hbm>>
        tpu.enqueue_indirect_dma source(%dma_start3A_77 : memref<32x768xf32, #tpu.memory_space<hbm>>) target(%arg6 : memref<64x768xf32, #tpu.memory_space<vmem>>) offsets(%dma_start3A_74 : memref<64xi32, #tpu.memory_space<vmem>>) semaphore(%arg8 : memref<!tpu.dma_semaphore, #tpu.memory_space<semaphore_mem>>)
        %mul3A_78 = arith.constant 64 : i32
        %mul3A_79 = arith.muli %add3A_32, %mul3A_78 : i32
        %add3A_80 = arith.addi %mul3A_2, %mul3A_79 : i32
        %dma_wait3A_81 = arith.constant 0 : i32
        %dma_wait3A_82 = tpu.memref_slice %arg4[%add3A_80, %dma_wait3A_81] : memref<32768x768xf32, #tpu.memory_space<hbm>> -> memref<64x768xf32, #tpu.memory_space<hbm>>
        %dma_wait3A_83 = arith.constant 0 : i32
        %dma_wait3A_84 = tpu.memref_slice %arg4[%add3A_80, %dma_wait3A_83] : memref<32768x768xf32, #tpu.memory_space<hbm>> -> memref<64x768xf32, #tpu.memory_space<hbm>>
        tpu.wait_dma2 semaphore(%arg11 : memref<!tpu.dma_semaphore, #tpu.memory_space<semaphore_mem>>) src(%arg7 : memref<64x768xf32, #tpu.memory_space<vmem>>) dst(%dma_wait3A_84 : memref<64x768xf32, #tpu.memory_space<hbm>>)
        %add3A_85 = arith.constant 2 : i32
        %add3A_86 = arith.addi %add3A_32, %add3A_85 : i32
        %mul3A_87 = arith.constant 64 : i32
        %mul3A_88 = arith.muli %add3A_86, %mul3A_87 : i32
        %dma_start3A_89 = tpu.memref_slice %arg5[%mul3A_88] : memref<1024xi32, #tpu.memory_space<vmem>> -> memref<64xi32, #tpu.memory_space<vmem>>
        %dma_start3A_90 = arith.constant 0 : i32
        %dma_start3A_91 = arith.constant 0 : i32
        %dma_start3A_92 = tpu.memref_slice %arg2[%dma_start3A_90, %dma_start3A_91] : memref<32x768xf32, #tpu.memory_space<hbm>> -> memref<32x768xf32, #tpu.memory_space<hbm>>
        tpu.enqueue_indirect_dma source(%dma_start3A_92 : memref<32x768xf32, #tpu.memory_space<hbm>>) target(%arg7 : memref<64x768xf32, #tpu.memory_space<vmem>>) offsets(%dma_start3A_89 : memref<64xi32, #tpu.memory_space<vmem>>) semaphore(%arg9 : memref<!tpu.dma_semaphore, #tpu.memory_space<semaphore_mem>>)
      } else {
      }
    }
    %scan3A_16 = arith.constant 8 : i32
    %add3A_17 = arith.constant 896 : i32
    %add3A_18 = arith.addi %mul3A_2, %add3A_17 : i32
    %dma_wait3A = arith.constant 0 : i32
    %dma_wait3A_19 = tpu.memref_slice %arg4[%add3A_18, %dma_wait3A] : memref<32768x768xf32, #tpu.memory_space<hbm>> -> memref<64x768xf32, #tpu.memory_space<hbm>>
    %dma_wait3A_20 = arith.constant 0 : i32
    %dma_wait3A_21 = tpu.memref_slice %arg4[%add3A_18, %dma_wait3A_20] : memref<32768x768xf32, #tpu.memory_space<hbm>> -> memref<64x768xf32, #tpu.memory_space<hbm>>
    tpu.wait_dma2 semaphore(%arg10 : memref<!tpu.dma_semaphore, #tpu.memory_space<semaphore_mem>>) src(%arg6 : memref<64x768xf32, #tpu.memory_space<vmem>>) dst(%dma_wait3A_21 : memref<64x768xf32, #tpu.memory_space<hbm>>)
    %add3A_22 = arith.constant 960 : i32
    %add3A_23 = arith.addi %mul3A_2, %add3A_22 : i32
    %dma_wait3A_24 = arith.constant 0 : i32
    %dma_wait3A_25 = tpu.memref_slice %arg4[%add3A_23, %dma_wait3A_24] : memref<32768x768xf32, #tpu.memory_space<hbm>> -> memref<64x768xf32, #tpu.memory_space<hbm>>
    %dma_wait3A_26 = arith.constant 0 : i32
    %dma_wait3A_27 = tpu.memref_slice %arg4[%add3A_23, %dma_wait3A_26] : memref<32768x768xf32, #tpu.memory_space<hbm>> -> memref<64x768xf32, #tpu.memory_space<hbm>>
    tpu.wait_dma2 semaphore(%arg11 : memref<!tpu.dma_semaphore, #tpu.memory_space<semaphore_mem>>) src(%arg7 : memref<64x768xf32, #tpu.memory_space<vmem>>) dst(%dma_wait3A_27 : memref<64x768xf32, #tpu.memory_space<hbm>>)
    return
  }
}

module attributes {stable_mosaic.version = 14 : i64} {
  func.func @_mlp_body(%arg0: memref<32x768xf32, #tpu.memory_space<vmem>>, %arg1: memref<768x768xf32, #tpu.memory_space<vmem>>, %arg2: memref<1x768xf32, #tpu.memory_space<vmem>>, %arg3: memref<1x768xf32, #tpu.memory_space<vmem>>, %arg4: memref<1x768xf32, #tpu.memory_space<vmem>>, %arg5: memref<768x768xf32, #tpu.memory_space<vmem>>, %arg6: memref<1x768xf32, #tpu.memory_space<vmem>>, %arg7: memref<32x768xf32, #tpu.memory_space<vmem>>) attributes {dimension_semantics = [], scalar_prefetch = 0 : i64, scratch_operands = 0 : i64, tpu.core_type = #tpu.core_type<tc>} {
    %get3A = arith.constant 0 : index
    %get3A_0 = arith.constant 0 : index
    %get3A_1 = vector.load %arg0[%get3A, %get3A_0] : memref<32x768xf32, #tpu.memory_space<vmem>>, vector<32x768xf32>
    %get3A_2 = arith.constant 0 : index
    %get3A_3 = arith.constant 0 : index
    %get3A_4 = vector.load %arg1[%get3A_2, %get3A_3] : memref<768x768xf32, #tpu.memory_space<vmem>>, vector<768x768xf32>
    %dot_general3A = arith.constant dense<0.000000e+00> : vector<32x768xf32>
    %dot_general3A_5 = tpu.matmul %get3A_1, %get3A_4, %dot_general3A {dimension_numbers = #tpu.dot_dimension_numbers<[1], [0], [0], [1], [0, 0, 1, 1], [], []>, precision = #tpu.contract_precision<fp32>, transpose_lhs_hint = false} : vector<32x768xf32>, vector<768x768xf32>, vector<32x768xf32> -> vector<32x768xf32>
    %get3A_6 = arith.constant 0 : index
    %get3A_7 = arith.constant 0 : index
    %get3A_8 = vector.load %arg2[%get3A_6, %get3A_7] : memref<1x768xf32, #tpu.memory_space<vmem>>, vector<1x768xf32>
    %add3A = vector.broadcast %get3A_8 : vector<1x768xf32> to vector<32x768xf32>
    %add3A_9 = arith.addf %dot_general3A_5, %add3A : vector<32x768xf32>
    %reduce_sum3A = arith.constant dense<0.000000e+00> : vector<32xf32>
    %reduce_sum3A_10 = vector.multi_reduction <add>, %add3A_9, %reduce_sum3A [1] : vector<32x768xf32> to vector<32xf32>
    %broadcast_in_dim3A = vector.shape_cast %reduce_sum3A_10 : vector<32xf32> to vector<32x1xf32>
    %div3A = arith.constant 7.680000e+02 : f32
    %div3A_11 = vector.broadcast %div3A : f32 to vector<32x1xf32>
    %div3A_12 = arith.divf %broadcast_in_dim3A, %div3A_11 : vector<32x1xf32>
    %sub3A = vector.broadcast %div3A_12 : vector<32x1xf32> to vector<32x768xf32>
    %sub3A_13 = arith.subf %add3A_9, %sub3A : vector<32x768xf32>
    %integer_pow3A = arith.mulf %sub3A_13, %sub3A_13 : vector<32x768xf32>
    %reduce_sum3A_14 = arith.constant dense<0.000000e+00> : vector<32xf32>
    %reduce_sum3A_15 = vector.multi_reduction <add>, %integer_pow3A, %reduce_sum3A_14 [1] : vector<32x768xf32> to vector<32xf32>
    %broadcast_in_dim3A_16 = vector.shape_cast %reduce_sum3A_15 : vector<32xf32> to vector<32x1xf32>
    %div3A_17 = arith.constant 7.680000e+02 : f32
    %div3A_18 = vector.broadcast %div3A_17 : f32 to vector<32x1xf32>
    %div3A_19 = arith.divf %broadcast_in_dim3A_16, %div3A_18 : vector<32x1xf32>
    %sub3A_20 = vector.broadcast %div3A_12 : vector<32x1xf32> to vector<32x768xf32>
    %sub3A_21 = arith.subf %add3A_9, %sub3A_20 : vector<32x768xf32>
    %add3A_22 = arith.constant 9.99999974E-6 : f32
    %add3A_23 = vector.broadcast %add3A_22 : f32 to vector<32x1xf32>
    %add3A_24 = arith.addf %div3A_19, %add3A_23 : vector<32x1xf32>
    %rsqrt3A = math.rsqrt %add3A_24 : vector<32x1xf32>
    %mul3A = vector.broadcast %rsqrt3A : vector<32x1xf32> to vector<32x768xf32>
    %mul3A_25 = arith.mulf %sub3A_21, %mul3A : vector<32x768xf32>
    %get3A_26 = arith.constant 0 : index
    %get3A_27 = arith.constant 0 : index
    %get3A_28 = vector.load %arg3[%get3A_26, %get3A_27] : memref<1x768xf32, #tpu.memory_space<vmem>>, vector<1x768xf32>
    %mul3A_29 = vector.broadcast %get3A_28 : vector<1x768xf32> to vector<32x768xf32>
    %mul3A_30 = arith.mulf %mul3A_25, %mul3A_29 : vector<32x768xf32>
    %get3A_31 = arith.constant 0 : index
    %get3A_32 = arith.constant 0 : index
    %get3A_33 = vector.load %arg4[%get3A_31, %get3A_32] : memref<1x768xf32, #tpu.memory_space<vmem>>, vector<1x768xf32>
    %add3A_34 = vector.broadcast %get3A_33 : vector<1x768xf32> to vector<32x768xf32>
    %add3A_35 = arith.addf %mul3A_30, %add3A_34 : vector<32x768xf32>
    %mul3A_36 = arith.constant 5.000000e-01 : f32
    %mul3A_37 = vector.broadcast %mul3A_36 : f32 to vector<32x768xf32>
    %mul3A_38 = arith.mulf %mul3A_37, %add3A_35 : vector<32x768xf32>
    %mul3A_39 = arith.constant 0.707106769 : f32
    %mul3A_40 = vector.broadcast %mul3A_39 : f32 to vector<32x768xf32>
    %mul3A_41 = arith.mulf %add3A_35, %mul3A_40 : vector<32x768xf32>
    %erf3A = math.erf %mul3A_41 : vector<32x768xf32>
    %add3A_42 = arith.constant 1.000000e+00 : f32
    %add3A_43 = vector.broadcast %add3A_42 : f32 to vector<32x768xf32>
    %add3A_44 = arith.addf %add3A_43, %erf3A : vector<32x768xf32>
    %mul3A_45 = arith.mulf %mul3A_38, %add3A_44 : vector<32x768xf32>
    %get3A_46 = arith.constant 0 : index
    %get3A_47 = arith.constant 0 : index
    %get3A_48 = vector.load %arg5[%get3A_46, %get3A_47] : memref<768x768xf32, #tpu.memory_space<vmem>>, vector<768x768xf32>
    %dot_general3A_49 = arith.constant dense<0.000000e+00> : vector<32x768xf32>
    %dot_general3A_50 = tpu.matmul %mul3A_45, %get3A_48, %dot_general3A_49 {dimension_numbers = #tpu.dot_dimension_numbers<[1], [0], [0], [1], [0, 0, 1, 1], [], []>, precision = #tpu.contract_precision<fp32>, transpose_lhs_hint = false} : vector<32x768xf32>, vector<768x768xf32>, vector<32x768xf32> -> vector<32x768xf32>
    %get3A_51 = arith.constant 0 : index
    %get3A_52 = arith.constant 0 : index
    %get3A_53 = vector.load %arg6[%get3A_51, %get3A_52] : memref<1x768xf32, #tpu.memory_space<vmem>>, vector<1x768xf32>
    %add3A_54 = vector.broadcast %get3A_53 : vector<1x768xf32> to vector<32x768xf32>
    %add3A_55 = arith.addf %dot_general3A_50, %add3A_54 : vector<32x768xf32>
    %swap3A = arith.constant 0 : index
    %swap3A_56 = arith.constant 0 : index
    %swap3A_57 = vector.load %arg7[%swap3A, %swap3A_56] : memref<32x768xf32, #tpu.memory_space<vmem>>, vector<32x768xf32>
    tpu.vector_store %arg7[%swap3A, %swap3A_56], %add3A_55 {strides = array<i32>} : memref<32x768xf32, #tpu.memory_space<vmem>>, vector<32x768xf32>,
    return
  }
}

module attributes {stable_mosaic.version = 14 : i64} {
  func.func @_expand_tc_body(%arg0: i32, %arg1: memref<1x3072xi32, #tpu.memory_space<vmem>>, %arg2: memref<32x768xf32, #tpu.memory_space<vmem>>, %arg3: memref<128x32x768xf32, #tpu.memory_space<vmem>>) attributes {dimension_semantics = [#tpu.dimension_semantics<arbitrary>], iteration_bounds = array<i64: 24>, scalar_prefetch = 0 : i64, scratch_operands = 0 : i64, tpu.core_type = #tpu.core_type<tc>, window_params = [{pipeline_mode = #tpu.pipeline_mode<synchronous>, transform_indices = @transform_0, window_bounds = array<i64: 1, 3072>}, {pipeline_mode = #tpu.pipeline_mode<synchronous>, transform_indices = @transform_1, window_bounds = array<i64: 32, 768>}, {transform_indices = @transform_2, window_bounds = array<i64: 128, 32, 768>}]} {
    %mul3A = arith.constant 128 : i32
    %mul3A_0 = arith.muli %arg0, %mul3A : i32
    %get3A = arith.constant 0 : index
    %get3A_1 = arith.index_cast %mul3A_0 : i32 to index
    %get3A_2 = vector.load %arg1[%get3A, %get3A_1] : memref<1x3072xi32, #tpu.memory_space<vmem>>, vector<1x128xi32>
    %get3A_3 = vector.shape_cast %get3A_2 : vector<1x128xi32> to vector<128xi32>
    %broadcast_in_dim3A = vector.shape_cast %get3A_3 : vector<128xi32> to vector<128x1xi32>
    %iota3A = tpu.iota {dimensions = array<i32: 1>} : vector<128x32xi32>
    %eq3A = vector.broadcast %broadcast_in_dim3A : vector<128x1xi32> to vector<128x32xi32>
    %eq3A_4 = arith.cmpi eq, %eq3A, %iota3A : vector<128x32xi32>
    %convert_element_type3A = arith.extui %eq3A_4 : vector<128x32xi1> to vector<128x32xi32>
    %convert_element_type3A_5 = arith.sitofp %convert_element_type3A : vector<128x32xi32> to vector<128x32xf32>
    %get3A_6 = arith.constant 0 : index
    %get3A_7 = arith.constant 0 : index
    %get3A_8 = vector.load %arg2[%get3A_6, %get3A_7] : memref<32x768xf32, #tpu.memory_space<vmem>>, vector<32x768xf32>
    %dot_general3A = arith.constant dense<0.000000e+00> : vector<128x768xf32>
    %dot_general3A_9 = tpu.matmul %convert_element_type3A_5, %get3A_8, %dot_general3A {dimension_numbers = #tpu.dot_dimension_numbers<[1], [0], [0], [1], [0, 0, 1, 1], [], []>, precision = #tpu.contract_precision<fp32>, transpose_lhs_hint = false} : vector<128x32xf32>, vector<32x768xf32>, vector<128x768xf32> -> vector<128x768xf32>
    %swap3A = arith.constant 0 : index
    %swap3A_10 = arith.constant 0 : index
    %swap3A_11 = arith.constant 0 : index
    %swap3A_12 = vector.load %arg3[%swap3A, %swap3A_10, %swap3A_11] : memref<128x32x768xf32, #tpu.memory_space<vmem>>, vector<128x1x768xf32>
    %swap3A_13 = vector.shape_cast %swap3A_12 : vector<128x1x768xf32> to vector<128x768xf32>
    %swap3A_14 = vector.shape_cast %dot_general3A_9 : vector<128x768xf32> to vector<128x1x768xf32>
    tpu.vector_store %arg3[%swap3A, %swap3A_10, %swap3A_11], %swap3A_14 {strides = array<i32>} : memref<128x32x768xf32, #tpu.memory_space<vmem>>, vector<128x1x768xf32>,
    %swap3A_15 = arith.constant 0 : index
    %swap3A_16 = arith.constant 1 : index
    %swap3A_17 = arith.constant 0 : index
    %swap3A_18 = vector.load %arg3[%swap3A_15, %swap3A_16, %swap3A_17] : memref<128x32x768xf32, #tpu.memory_space<vmem>>, vector<128x1x768xf32>
    %swap3A_19 = vector.shape_cast %swap3A_18 : vector<128x1x768xf32> to vector<128x768xf32>
    %swap3A_20 = vector.shape_cast %dot_general3A_9 : vector<128x768xf32> to vector<128x1x768xf32>
    tpu.vector_store %arg3[%swap3A_15, %swap3A_16, %swap3A_17], %swap3A_20 {strides = array<i32>} : memref<128x32x768xf32, #tpu.memory_space<vmem>>, vector<128x1x768xf32>,
    %swap3A_21 = arith.constant 0 : index
    %swap3A_22 = arith.constant 2 : index
    %swap3A_23 = arith.constant 0 : index
    %swap3A_24 = vector.load %arg3[%swap3A_21, %swap3A_22, %swap3A_23] : memref<128x32x768xf32, #tpu.memory_space<vmem>>, vector<128x1x768xf32>
    %swap3A_25 = vector.shape_cast %swap3A_24 : vector<128x1x768xf32> to vector<128x768xf32>
    %swap3A_26 = vector.shape_cast %dot_general3A_9 : vector<128x768xf32> to vector<128x1x768xf32>
    tpu.vector_store %arg3[%swap3A_21, %swap3A_22, %swap3A_23], %swap3A_26 {strides = array<i32>} : memref<128x32x768xf32, #tpu.memory_space<vmem>>, vector<128x1x768xf32>,
    %swap3A_27 = arith.constant 0 : index
    %swap3A_28 = arith.constant 3 : index
    %swap3A_29 = arith.constant 0 : index
    %swap3A_30 = vector.load %arg3[%swap3A_27, %swap3A_28, %swap3A_29] : memref<128x32x768xf32, #tpu.memory_space<vmem>>, vector<128x1x768xf32>
    %swap3A_31 = vector.shape_cast %swap3A_30 : vector<128x1x768xf32> to vector<128x768xf32>
    %swap3A_32 = vector.shape_cast %dot_general3A_9 : vector<128x768xf32> to vector<128x1x768xf32>
    tpu.vector_store %arg3[%swap3A_27, %swap3A_28, %swap3A_29], %swap3A_32 {strides = array<i32>} : memref<128x32x768xf32, #tpu.memory_space<vmem>>, vector<128x1x768xf32>,
    %swap3A_33 = arith.constant 0 : index
    %swap3A_34 = arith.constant 4 : index
    %swap3A_35 = arith.constant 0 : index
    %swap3A_36 = vector.load %arg3[%swap3A_33, %swap3A_34, %swap3A_35] : memref<128x32x768xf32, #tpu.memory_space<vmem>>, vector<128x1x768xf32>
    %swap3A_37 = vector.shape_cast %swap3A_36 : vector<128x1x768xf32> to vector<128x768xf32>
    %swap3A_38 = vector.shape_cast %dot_general3A_9 : vector<128x768xf32> to vector<128x1x768xf32>
    tpu.vector_store %arg3[%swap3A_33, %swap3A_34, %swap3A_35], %swap3A_38 {strides = array<i32>} : memref<128x32x768xf32, #tpu.memory_space<vmem>>, vector<128x1x768xf32>,
    %swap3A_39 = arith.constant 0 : index
    %swap3A_40 = arith.constant 5 : index
    %swap3A_41 = arith.constant 0 : index
    %swap3A_42 = vector.load %arg3[%swap3A_39, %swap3A_40, %swap3A_41] : memref<128x32x768xf32, #tpu.memory_space<vmem>>, vector<128x1x768xf32>
    %swap3A_43 = vector.shape_cast %swap3A_42 : vector<128x1x768xf32> to vector<128x768xf32>
    %swap3A_44 = vector.shape_cast %dot_general3A_9 : vector<128x768xf32> to vector<128x1x768xf32>
    tpu.vector_store %arg3[%swap3A_39, %swap3A_40, %swap3A_41], %swap3A_44 {strides = array<i32>} : memref<128x32x768xf32, #tpu.memory_space<vmem>>, vector<128x1x768xf32>,
    %swap3A_45 = arith.constant 0 : index
    %swap3A_46 = arith.constant 6 : index
    %swap3A_47 = arith.constant 0 : index
    %swap3A_48 = vector.load %arg3[%swap3A_45, %swap3A_46, %swap3A_47] : memref<128x32x768xf32, #tpu.memory_space<vmem>>, vector<128x1x768xf32>
    %swap3A_49 = vector.shape_cast %swap3A_48 : vector<128x1x768xf32> to vector<128x768xf32>
    %swap3A_50 = vector.shape_cast %dot_general3A_9 : vector<128x768xf32> to vector<128x1x768xf32>
    tpu.vector_store %arg3[%swap3A_45, %swap3A_46, %swap3A_47], %swap3A_50 {strides = array<i32>} : memref<128x32x768xf32, #tpu.memory_space<vmem>>, vector<128x1x768xf32>,
    %swap3A_51 = arith.constant 0 : index
    %swap3A_52 = arith.constant 7 : index
    %swap3A_53 = arith.constant 0 : index
    %swap3A_54 = vector.load %arg3[%swap3A_51, %swap3A_52, %swap3A_53] : memref<128x32x768xf32, #tpu.memory_space<vmem>>, vector<128x1x768xf32>
    %swap3A_55 = vector.shape_cast %swap3A_54 : vector<128x1x768xf32> to vector<128x768xf32>
    %swap3A_56 = vector.shape_cast %dot_general3A_9 : vector<128x768xf32> to vector<128x1x768xf32>
    tpu.vector_store %arg3[%swap3A_51, %swap3A_52, %swap3A_53], %swap3A_56 {strides = array<i32>} : memref<128x32x768xf32, #tpu.memory_space<vmem>>, vector<128x1x768xf32>,
    %swap3A_57 = arith.constant 0 : index
    %swap3A_58 = arith.constant 8 : index
    %swap3A_59 = arith.constant 0 : index
    %swap3A_60 = vector.load %arg3[%swap3A_57, %swap3A_58, %swap3A_59] : memref<128x32x768xf32, #tpu.memory_space<vmem>>, vector<128x1x768xf32>
    %swap3A_61 = vector.shape_cast %swap3A_60 : vector<128x1x768xf32> to vector<128x768xf32>
    %swap3A_62 = vector.shape_cast %dot_general3A_9 : vector<128x768xf32> to vector<128x1x768xf32>
    tpu.vector_store %arg3[%swap3A_57, %swap3A_58, %swap3A_59], %swap3A_62 {strides = array<i32>} : memref<128x32x768xf32, #tpu.memory_space<vmem>>, vector<128x1x768xf32>,
    %swap3A_63 = arith.constant 0 : index
    %swap3A_64 = arith.constant 9 : index
    %swap3A_65 = arith.constant 0 : index
    %swap3A_66 = vector.load %arg3[%swap3A_63, %swap3A_64, %swap3A_65] : memref<128x32x768xf32, #tpu.memory_space<vmem>>, vector<128x1x768xf32>
    %swap3A_67 = vector.shape_cast %swap3A_66 : vector<128x1x768xf32> to vector<128x768xf32>
    %swap3A_68 = vector.shape_cast %dot_general3A_9 : vector<128x768xf32> to vector<128x1x768xf32>
    tpu.vector_store %arg3[%swap3A_63, %swap3A_64, %swap3A_65], %swap3A_68 {strides = array<i32>} : memref<128x32x768xf32, #tpu.memory_space<vmem>>, vector<128x1x768xf32>,
    %swap3A_69 = arith.constant 0 : index
    %swap3A_70 = arith.constant 10 : index
    %swap3A_71 = arith.constant 0 : index
    %swap3A_72 = vector.load %arg3[%swap3A_69, %swap3A_70, %swap3A_71] : memref<128x32x768xf32, #tpu.memory_space<vmem>>, vector<128x1x768xf32>
    %swap3A_73 = vector.shape_cast %swap3A_72 : vector<128x1x768xf32> to vector<128x768xf32>
    %swap3A_74 = vector.shape_cast %dot_general3A_9 : vector<128x768xf32> to vector<128x1x768xf32>
    tpu.vector_store %arg3[%swap3A_69, %swap3A_70, %swap3A_71], %swap3A_74 {strides = array<i32>} : memref<128x32x768xf32, #tpu.memory_space<vmem>>, vector<128x1x768xf32>,
    %swap3A_75 = arith.constant 0 : index
    %swap3A_76 = arith.constant 11 : index
    %swap3A_77 = arith.constant 0 : index
    %swap3A_78 = vector.load %arg3[%swap3A_75, %swap3A_76, %swap3A_77] : memref<128x32x768xf32, #tpu.memory_space<vmem>>, vector<128x1x768xf32>
    %swap3A_79 = vector.shape_cast %swap3A_78 : vector<128x1x768xf32> to vector<128x768xf32>
    %swap3A_80 = vector.shape_cast %dot_general3A_9 : vector<128x768xf32> to vector<128x1x768xf32>
    tpu.vector_store %arg3[%swap3A_75, %swap3A_76, %swap3A_77], %swap3A_80 {strides = array<i32>} : memref<128x32x768xf32, #tpu.memory_space<vmem>>, vector<128x1x768xf32>,
    %swap3A_81 = arith.constant 0 : index
    %swap3A_82 = arith.constant 12 : index
    %swap3A_83 = arith.constant 0 : index
    %swap3A_84 = vector.load %arg3[%swap3A_81, %swap3A_82, %swap3A_83] : memref<128x32x768xf32, #tpu.memory_space<vmem>>, vector<128x1x768xf32>
    %swap3A_85 = vector.shape_cast %swap3A_84 : vector<128x1x768xf32> to vector<128x768xf32>
    %swap3A_86 = vector.shape_cast %dot_general3A_9 : vector<128x768xf32> to vector<128x1x768xf32>
    tpu.vector_store %arg3[%swap3A_81, %swap3A_82, %swap3A_83], %swap3A_86 {strides = array<i32>} : memref<128x32x768xf32, #tpu.memory_space<vmem>>, vector<128x1x768xf32>,
    %swap3A_87 = arith.constant 0 : index
    %swap3A_88 = arith.constant 13 : index
    %swap3A_89 = arith.constant 0 : index
    %swap3A_90 = vector.load %arg3[%swap3A_87, %swap3A_88, %swap3A_89] : memref<128x32x768xf32, #tpu.memory_space<vmem>>, vector<128x1x768xf32>
    %swap3A_91 = vector.shape_cast %swap3A_90 : vector<128x1x768xf32> to vector<128x768xf32>
    %swap3A_92 = vector.shape_cast %dot_general3A_9 : vector<128x768xf32> to vector<128x1x768xf32>
    tpu.vector_store %arg3[%swap3A_87, %swap3A_88, %swap3A_89], %swap3A_92 {strides = array<i32>} : memref<128x32x768xf32, #tpu.memory_space<vmem>>, vector<128x1x768xf32>,
    %swap3A_93 = arith.constant 0 : index
    %swap3A_94 = arith.constant 14 : index
    %swap3A_95 = arith.constant 0 : index
    %swap3A_96 = vector.load %arg3[%swap3A_93, %swap3A_94, %swap3A_95] : memref<128x32x768xf32, #tpu.memory_space<vmem>>, vector<128x1x768xf32>
    %swap3A_97 = vector.shape_cast %swap3A_96 : vector<128x1x768xf32> to vector<128x768xf32>
    %swap3A_98 = vector.shape_cast %dot_general3A_9 : vector<128x768xf32> to vector<128x1x768xf32>
    tpu.vector_store %arg3[%swap3A_93, %swap3A_94, %swap3A_95], %swap3A_98 {strides = array<i32>} : memref<128x32x768xf32, #tpu.memory_space<vmem>>, vector<128x1x768xf32>,
    %swap3A_99 = arith.constant 0 : index
    %swap3A_100 = arith.constant 15 : index
    %swap3A_101 = arith.constant 0 : index
    %swap3A_102 = vector.load %arg3[%swap3A_99, %swap3A_100, %swap3A_101] : memref<128x32x768xf32, #tpu.memory_space<vmem>>, vector<128x1x768xf32>
    %swap3A_103 = vector.shape_cast %swap3A_102 : vector<128x1x768xf32> to vector<128x768xf32>
    %swap3A_104 = vector.shape_cast %dot_general3A_9 : vector<128x768xf32> to vector<128x1x768xf32>
    tpu.vector_store %arg3[%swap3A_99, %swap3A_100, %swap3A_101], %swap3A_104 {strides = array<i32>} : memref<128x32x768xf32, #tpu.memory_space<vmem>>, vector<128x1x768xf32>,
    %swap3A_105 = arith.constant 0 : index
    %swap3A_106 = arith.constant 16 : index
    %swap3A_107 = arith.constant 0 : index
    %swap3A_108 = vector.load %arg3[%swap3A_105, %swap3A_106, %swap3A_107] : memref<128x32x768xf32, #tpu.memory_space<vmem>>, vector<128x1x768xf32>
    %swap3A_109 = vector.shape_cast %swap3A_108 : vector<128x1x768xf32> to vector<128x768xf32>
    %swap3A_110 = vector.shape_cast %dot_general3A_9 : vector<128x768xf32> to vector<128x1x768xf32>
    tpu.vector_store %arg3[%swap3A_105, %swap3A_106, %swap3A_107], %swap3A_110 {strides = array<i32>} : memref<128x32x768xf32, #tpu.memory_space<vmem>>, vector<128x1x768xf32>,
    %swap3A_111 = arith.constant 0 : index
    %swap3A_112 = arith.constant 17 : index
    %swap3A_113 = arith.constant 0 : index
    %swap3A_114 = vector.load %arg3[%swap3A_111, %swap3A_112, %swap3A_113] : memref<128x32x768xf32, #tpu.memory_space<vmem>>, vector<128x1x768xf32>
    %swap3A_115 = vector.shape_cast %swap3A_114 : vector<128x1x768xf32> to vector<128x768xf32>
    %swap3A_116 = vector.shape_cast %dot_general3A_9 : vector<128x768xf32> to vector<128x1x768xf32>
    tpu.vector_store %arg3[%swap3A_111, %swap3A_112, %swap3A_113], %swap3A_116 {strides = array<i32>} : memref<128x32x768xf32, #tpu.memory_space<vmem>>, vector<128x1x768xf32>,
    %swap3A_117 = arith.constant 0 : index
    %swap3A_118 = arith.constant 18 : index
    %swap3A_119 = arith.constant 0 : index
    %swap3A_120 = vector.load %arg3[%swap3A_117, %swap3A_118, %swap3A_119] : memref<128x32x768xf32, #tpu.memory_space<vmem>>, vector<128x1x768xf32>
    %swap3A_121 = vector.shape_cast %swap3A_120 : vector<128x1x768xf32> to vector<128x768xf32>
    %swap3A_122 = vector.shape_cast %dot_general3A_9 : vector<128x768xf32> to vector<128x1x768xf32>
    tpu.vector_store %arg3[%swap3A_117, %swap3A_118, %swap3A_119], %swap3A_122 {strides = array<i32>} : memref<128x32x768xf32, #tpu.memory_space<vmem>>, vector<128x1x768xf32>,
    %swap3A_123 = arith.constant 0 : index
    %swap3A_124 = arith.constant 19 : index
    %swap3A_125 = arith.constant 0 : index
    %swap3A_126 = vector.load %arg3[%swap3A_123, %swap3A_124, %swap3A_125] : memref<128x32x768xf32, #tpu.memory_space<vmem>>, vector<128x1x768xf32>
    %swap3A_127 = vector.shape_cast %swap3A_126 : vector<128x1x768xf32> to vector<128x768xf32>
    %swap3A_128 = vector.shape_cast %dot_general3A_9 : vector<128x768xf32> to vector<128x1x768xf32>
    tpu.vector_store %arg3[%swap3A_123, %swap3A_124, %swap3A_125], %swap3A_128 {strides = array<i32>} : memref<128x32x768xf32, #tpu.memory_space<vmem>>, vector<128x1x768xf32>,
    %swap3A_129 = arith.constant 0 : index
    %swap3A_130 = arith.constant 20 : index
    %swap3A_131 = arith.constant 0 : index
    %swap3A_132 = vector.load %arg3[%swap3A_129, %swap3A_130, %swap3A_131] : memref<128x32x768xf32, #tpu.memory_space<vmem>>, vector<128x1x768xf32>
    %swap3A_133 = vector.shape_cast %swap3A_132 : vector<128x1x768xf32> to vector<128x768xf32>
    %swap3A_134 = vector.shape_cast %dot_general3A_9 : vector<128x768xf32> to vector<128x1x768xf32>
    tpu.vector_store %arg3[%swap3A_129, %swap3A_130, %swap3A_131], %swap3A_134 {strides = array<i32>} : memref<128x32x768xf32, #tpu.memory_space<vmem>>, vector<128x1x768xf32>,
    %swap3A_135 = arith.constant 0 : index
    %swap3A_136 = arith.constant 21 : index
    %swap3A_137 = arith.constant 0 : index
    %swap3A_138 = vector.load %arg3[%swap3A_135, %swap3A_136, %swap3A_137] : memref<128x32x768xf32, #tpu.memory_space<vmem>>, vector<128x1x768xf32>
    %swap3A_139 = vector.shape_cast %swap3A_138 : vector<128x1x768xf32> to vector<128x768xf32>
    %swap3A_140 = vector.shape_cast %dot_general3A_9 : vector<128x768xf32> to vector<128x1x768xf32>
    tpu.vector_store %arg3[%swap3A_135, %swap3A_136, %swap3A_137], %swap3A_140 {strides = array<i32>} : memref<128x32x768xf32, #tpu.memory_space<vmem>>, vector<128x1x768xf32>,
    %swap3A_141 = arith.constant 0 : index
    %swap3A_142 = arith.constant 22 : index
    %swap3A_143 = arith.constant 0 : index
    %swap3A_144 = vector.load %arg3[%swap3A_141, %swap3A_142, %swap3A_143] : memref<128x32x768xf32, #tpu.memory_space<vmem>>, vector<128x1x768xf32>
    %swap3A_145 = vector.shape_cast %swap3A_144 : vector<128x1x768xf32> to vector<128x768xf32>
    %swap3A_146 = vector.shape_cast %dot_general3A_9 : vector<128x768xf32> to vector<128x1x768xf32>
    tpu.vector_store %arg3[%swap3A_141, %swap3A_142, %swap3A_143], %swap3A_146 {strides = array<i32>} : memref<128x32x768xf32, #tpu.memory_space<vmem>>, vector<128x1x768xf32>,
    %swap3A_147 = arith.constant 0 : index
    %swap3A_148 = arith.constant 23 : index
    %swap3A_149 = arith.constant 0 : index
    %swap3A_150 = vector.load %arg3[%swap3A_147, %swap3A_148, %swap3A_149] : memref<128x32x768xf32, #tpu.memory_space<vmem>>, vector<128x1x768xf32>
    %swap3A_151 = vector.shape_cast %swap3A_150 : vector<128x1x768xf32> to vector<128x768xf32>
    %swap3A_152 = vector.shape_cast %dot_general3A_9 : vector<128x768xf32> to vector<128x1x768xf32>
    tpu.vector_store %arg3[%swap3A_147, %swap3A_148, %swap3A_149], %swap3A_152 {strides = array<i32>} : memref<128x32x768xf32, #tpu.memory_space<vmem>>, vector<128x1x768xf32>,
    %swap3A_153 = arith.constant 0 : index
    %swap3A_154 = arith.constant 24 : index
    %swap3A_155 = arith.constant 0 : index
    %swap3A_156 = vector.load %arg3[%swap3A_153, %swap3A_154, %swap3A_155] : memref<128x32x768xf32, #tpu.memory_space<vmem>>, vector<128x1x768xf32>
    %swap3A_157 = vector.shape_cast %swap3A_156 : vector<128x1x768xf32> to vector<128x768xf32>
    %swap3A_158 = vector.shape_cast %dot_general3A_9 : vector<128x768xf32> to vector<128x1x768xf32>
    tpu.vector_store %arg3[%swap3A_153, %swap3A_154, %swap3A_155], %swap3A_158 {strides = array<i32>} : memref<128x32x768xf32, #tpu.memory_space<vmem>>, vector<128x1x768xf32>,
    %swap3A_159 = arith.constant 0 : index
    %swap3A_160 = arith.constant 25 : index
    %swap3A_161 = arith.constant 0 : index
    %swap3A_162 = vector.load %arg3[%swap3A_159, %swap3A_160, %swap3A_161] : memref<128x32x768xf32, #tpu.memory_space<vmem>>, vector<128x1x768xf32>
    %swap3A_163 = vector.shape_cast %swap3A_162 : vector<128x1x768xf32> to vector<128x768xf32>
    %swap3A_164 = vector.shape_cast %dot_general3A_9 : vector<128x768xf32> to vector<128x1x768xf32>
    tpu.vector_store %arg3[%swap3A_159, %swap3A_160, %swap3A_161], %swap3A_164 {strides = array<i32>} : memref<128x32x768xf32, #tpu.memory_space<vmem>>, vector<128x1x768xf32>,
    %swap3A_165 = arith.constant 0 : index
    %swap3A_166 = arith.constant 26 : index
    %swap3A_167 = arith.constant 0 : index
    %swap3A_168 = vector.load %arg3[%swap3A_165, %swap3A_166, %swap3A_167] : memref<128x32x768xf32, #tpu.memory_space<vmem>>, vector<128x1x768xf32>
    %swap3A_169 = vector.shape_cast %swap3A_168 : vector<128x1x768xf32> to vector<128x768xf32>
    %swap3A_170 = vector.shape_cast %dot_general3A_9 : vector<128x768xf32> to vector<128x1x768xf32>
    tpu.vector_store %arg3[%swap3A_165, %swap3A_166, %swap3A_167], %swap3A_170 {strides = array<i32>} : memref<128x32x768xf32, #tpu.memory_space<vmem>>, vector<128x1x768xf32>,
    %swap3A_171 = arith.constant 0 : index
    %swap3A_172 = arith.constant 27 : index
    %swap3A_173 = arith.constant 0 : index
    %swap3A_174 = vector.load %arg3[%swap3A_171, %swap3A_172, %swap3A_173] : memref<128x32x768xf32, #tpu.memory_space<vmem>>, vector<128x1x768xf32>
    %swap3A_175 = vector.shape_cast %swap3A_174 : vector<128x1x768xf32> to vector<128x768xf32>
    %swap3A_176 = vector.shape_cast %dot_general3A_9 : vector<128x768xf32> to vector<128x1x768xf32>
    tpu.vector_store %arg3[%swap3A_171, %swap3A_172, %swap3A_173], %swap3A_176 {strides = array<i32>} : memref<128x32x768xf32, #tpu.memory_space<vmem>>, vector<128x1x768xf32>,
    %swap3A_177 = arith.constant 0 : index
    %swap3A_178 = arith.constant 28 : index
    %swap3A_179 = arith.constant 0 : index
    %swap3A_180 = vector.load %arg3[%swap3A_177, %swap3A_178, %swap3A_179] : memref<128x32x768xf32, #tpu.memory_space<vmem>>, vector<128x1x768xf32>
    %swap3A_181 = vector.shape_cast %swap3A_180 : vector<128x1x768xf32> to vector<128x768xf32>
    %swap3A_182 = vector.shape_cast %dot_general3A_9 : vector<128x768xf32> to vector<128x1x768xf32>
    tpu.vector_store %arg3[%swap3A_177, %swap3A_178, %swap3A_179], %swap3A_182 {strides = array<i32>} : memref<128x32x768xf32, #tpu.memory_space<vmem>>, vector<128x1x768xf32>,
    %swap3A_183 = arith.constant 0 : index
    %swap3A_184 = arith.constant 29 : index
    %swap3A_185 = arith.constant 0 : index
    %swap3A_186 = vector.load %arg3[%swap3A_183, %swap3A_184, %swap3A_185] : memref<128x32x768xf32, #tpu.memory_space<vmem>>, vector<128x1x768xf32>
    %swap3A_187 = vector.shape_cast %swap3A_186 : vector<128x1x768xf32> to vector<128x768xf32>
    %swap3A_188 = vector.shape_cast %dot_general3A_9 : vector<128x768xf32> to vector<128x1x768xf32>
    tpu.vector_store %arg3[%swap3A_183, %swap3A_184, %swap3A_185], %swap3A_188 {strides = array<i32>} : memref<128x32x768xf32, #tpu.memory_space<vmem>>, vector<128x1x768xf32>,
    %swap3A_189 = arith.constant 0 : index
    %swap3A_190 = arith.constant 30 : index
    %swap3A_191 = arith.constant 0 : index
    %swap3A_192 = vector.load %arg3[%swap3A_189, %swap3A_190, %swap3A_191] : memref<128x32x768xf32, #tpu.memory_space<vmem>>, vector<128x1x768xf32>
    %swap3A_193 = vector.shape_cast %swap3A_192 : vector<128x1x768xf32> to vector<128x768xf32>
    %swap3A_194 = vector.shape_cast %dot_general3A_9 : vector<128x768xf32> to vector<128x1x768xf32>
    tpu.vector_store %arg3[%swap3A_189, %swap3A_190, %swap3A_191], %swap3A_194 {strides = array<i32>} : memref<128x32x768xf32, #tpu.memory_space<vmem>>, vector<128x1x768xf32>,
    %swap3A_195 = arith.constant 0 : index
    %swap3A_196 = arith.constant 31 : index
    %swap3A_197 = arith.constant 0 : index
    %swap3A_198 = vector.load %arg3[%swap3A_195, %swap3A_196, %swap3A_197] : memref<128x32x768xf32, #tpu.memory_space<vmem>>, vector<128x1x768xf32>
    %swap3A_199 = vector.shape_cast %swap3A_198 : vector<128x1x768xf32> to vector<128x768xf32>
    %swap3A_200 = vector.shape_cast %dot_general3A_9 : vector<128x768xf32> to vector<128x1x768xf32>
    tpu.vector_store %arg3[%swap3A_195, %swap3A_196, %swap3A_197], %swap3A_200 {strides = array<i32>} : memref<128x32x768xf32, #tpu.memory_space<vmem>>, vector<128x1x768xf32>,
    return
  }
  func.func @transform_0(%arg0: i32) -> (i32, i32) {
    %c0_i32 = arith.constant 0 : i32
    %c0_i32_0 = arith.constant 0 : i32
    %c0_i32_1 = arith.constant 0 : i32
    return %c0_i32, %c0_i32_0 : i32, i32
  }
  func.func @transform_1(%arg0: i32) -> (i32, i32) {
    %c0_i32 = arith.constant 0 : i32
    %c0_i32_0 = arith.constant 0 : i32
    %c0_i32_1 = arith.constant 0 : i32
    return %c0_i32, %c0_i32_0 : i32, i32
  }
  func.func @transform_2(%arg0: i32) -> (i32, i32, i32) {
    %c0_i32 = arith.constant 0 : i32
    %c0_i32_0 = arith.constant 0 : i32
    %c0_i32_1 = arith.constant 0 : i32
    return %arg0, %c0_i32, %c0_i32_0 : i32, i32, i32
  }
}

</mosaic_0001>

<sc_bundles>
// kernel: kernel.5.cloned.1.call-start
scs
__scs_entry_jumppad:
0x0: {  	(pc) =	sbr.rel $0x88, $3  }
0x1: {  	(tag) =	ssettag $0x0;
	lr =	simm.s32 $0x1  }
0x2: {  	[smem:$0x3F99] =	sst lr;
	_ =	strace $0xD0000000  }
0x3: {  	_ = 	snop  }
0x4: {  	_ = 	snop  }
0x5: {  	_ = 	snop  }
0x6: {  	_ = 	snop  }
0x7: {  	_ = 	snop  }
__scs_overlays_trampoline_lowered:
0x8: {  	[smem:$0x3FA8] =	sst s0  }
0x9: {  	[smem:$0x3FA9] =	sst s1  }
0xa: {  	[smem:$0x3FAA] =	sst s2  }
0xb: {  	[smem:$0x3FAB] =	sst s3  }
0xc: {  	[smem:$0x3FAC] =	sst s4  }
0xd: {  	[smem:$0x3FAD] =	sst s5  }
0xe: {  	[smem:$0x3FAE] =	sst s6  }
0xf: {  	[smem:$0x3FAF] =	sst s7  }
0x10: {  	[smem:$0x3FB0] =	sst s8  }
0x11: {  	[smem:$0x3FB1] =	sst s9;
	s0 =	simm.s32 @!p0 $0x0  }
0x12: {  	s1 =	sld [smem:$0x3F97];
	s0 =	simm.s32 @p0 $0x1  }
0x13: {  	[smem:$0x3FB2] =	sst s0;
	s0 =	simm.s32 @!p1 $0x0  }
0x14: {  	s2 =	sld [smem:$0x3F96];
	s0 =	simm.s32 @p1 $0x1  }
0x15: {  	[smem:$0x3FB3] =	sst s0;
	s0 =	simm.s32 @!p2 $0x0  }
0x16: {  	s3 =	sld [smem:$0x3FDB];
	s0 =	simm.s32 @p2 $0x1  }
0x17: {  	s4 =	simm.s32 $0x1BF5;
	[smem:$0x3FB5] =	sst s0  }
0x18: {  	s0 =	sld [smem:$0x3F98];
	_ =	swait.ge [sflag:s4], $0x0  }
0x19: {  	s7 =	sld [smem:$0x3F99]  }
0x1a: {  	s8 =	sadd.s32 $0xFFFFE003, lr  }
0x1b: {  	s9 =	sadd.s32 $0xFFFFFEF7, lr;
	s5 =	simm.s32 $0xFFFFFFFF;
	p2 =	slt.u32 s8, $0xFFFFF086  }
0x1c: {  	p1 =	slt.u32 s9, $0xF7A;
	s5 =	simm.s32 @!p2 $0x0  }
0x1d: {  	s5 =	simm.s32 @p1 $0x1;
	p0 =	seq.s32 s7, s2  }
0x1e: {  	s7 =	smul.u32 @!p0 $0xF7A, s2;
	p2 =	seq.s32 @!p0 s5, $0x0  }
0x1f: {  	s9 =	smul.u32 $0xF7A, s1;
	s8 =	simm.s32 @!p0 $0x1BF5;
	p2 =	por !p2, p0  }
0x20: {  	[sflag:s8] =	ssyncset.s32 @!p0 $0xFFFFF086;
	s6 =	sadd.s32 @!p0 s3, s7;
	s7 =	simm.s32 @!p0 $0x108  }
0x21: {  	s3 =	sadd.s32 s3, s9;
	s6 =	sadd.s32 @!p0 $0x88, s6;
	s7 =	simm.s32 @p2 $0x1082  }
0x22: {  	[simem:s7], [sflag:s8] =	dma.local @!p0 [hbm:s6], $0xF7A  }
0x23: {  	s9 =	sor.u32 $0xD0000000, s2;
	s6 =	simm.s32 $0x108;
	_ =	swait.ge @!p0 [sflag:s8], $0x0  }
0x24: {  	s3 =	sadd.s32 $0x88, s3;
	s6 =	simm.s32 @!p1 $0x1082;
	[sflag:s4] =	ssyncset.s32 $0xFFFFF086  }
0x25: {  	[simem:s6], [sflag:s4] =	dma.local [hbm:s3], $0xF7A  }
0x26: {  	[smem:$0x3F99] =	sst s1;
	(tag) =	ssettag s2;
	_ =	strace s9  }
0x27: {  	s1 =	sld [smem:$0x3FA9]  }
0x28: {  	s2 =	sld [smem:$0x3FAA]  }
0x29: {  	s4 =	sld [smem:$0x3FAC]  }
0x2a: {  	p0 =	seq.s32 s5, $0x0;
	s5 =	sld [smem:$0x3FAD]  }
0x2b: {  	s6 =	sld [smem:$0x3FAE]  }
0x2c: {  	s7 =	sld [smem:$0x3FAF]  }
0x2d: {  	s3 =	simm.s32 $0x108;
	s8 =	sld [smem:$0x3FB0]  }
0x2e: {  	s3 =	simm.s32 @!p0 $0x1082;
	s9 =	sld [smem:$0x3FB1]  }
0x2f: {  	lr =	sadd.s32 s0, s3;
	s0 =	sld [smem:$0x3FA8]  }
0x30: {  	s3 =	sld [smem:$0x3FAB]  }
0x31: {  	[smem:$0x3FB4] =	sst s10  }
0x32: {  	s10 =	sld [smem:$0x3FB2];
	_ =	sdelay $0x3  }
0x33: {  	p0 =	seq.s32 s10, $0x1;
	s10 =	sld [smem:$0x3FB4];
	_ =	sdelay $0x3  }
0x34: {  	[smem:$0x3FB4] =	sst s10  }
0x35: {  	s10 =	sld [smem:$0x3FB3];
	_ =	sdelay $0x3  }
0x36: {  	p1 =	seq.s32 s10, $0x1;
	s10 =	sld [smem:$0x3FB4];
	_ =	sdelay $0x3  }
0x37: {  	[smem:$0x3FB4] =	sst s10  }
0x38: {  	s10 =	sld [smem:$0x3FB5]  }
0x39: {  	_ = 	snop;
	(pc) =	sbr.ind lr, $3  }
0x3a: {  	_ = 	snop  }
0x3b: {  	_ = 	snop  }
0x3c: {  	p2 =	seq.s32 s10, $0x1;
	s10 =	sld [smem:$0x3FB4]  }
0x3d: {  	_ =	shalt  }
0x3e: {  	_ =	shalt  }
0x3f: {  	_ =	shalt  }
0x40: {  	_ =	shalt  }
0x41: {  	_ =	shalt  }
0x42: {  	_ =	shalt  }
0x43: {  	_ =	shalt  }
0x44: {  	_ =	shalt  }
0x45: {  	_ =	shalt  }
0x46: {  	_ =	shalt  }
0x47: {  	_ =	shalt  }
0x48: {  	_ =	shalt  }
0x49: {  	_ =	shalt  }
0x4a: {  	_ =	shalt  }
0x4b: {  	_ =	shalt  }
0x4c: {  	_ =	shalt  }
0x4d: {  	_ =	shalt  }
0x4e: {  	_ =	shalt  }
0x4f: {  	_ =	shalt  }
0x50: {  	_ =	shalt  }
0x51: {  	_ =	shalt  }
0x52: {  	_ =	shalt  }
0x53: {  	_ =	shalt  }
0x54: {  	_ =	shalt  }
0x55: {  	_ =	shalt  }
0x56: {  	_ =	shalt  }
0x57: {  	_ =	shalt  }
0x58: {  	_ =	shalt  }
0x59: {  	_ =	shalt  }
0x5a: {  	_ =	shalt  }
0x5b: {  	_ =	shalt  }
0x5c: {  	_ =	shalt  }
0x5d: {  	_ =	shalt  }
0x5e: {  	_ =	shalt  }
0x5f: {  	_ =	shalt  }
0x60: {  	_ =	shalt  }
0x61: {  	_ =	shalt  }
0x62: {  	_ =	shalt  }
0x63: {  	_ =	shalt  }
0x64: {  	_ =	shalt  }
0x65: {  	_ =	shalt  }
0x66: {  	_ =	shalt  }
0x67: {  	_ =	shalt  }
0x68: {  	_ =	shalt  }
0x69: {  	_ =	shalt  }
0x6a: {  	_ =	shalt  }
0x6b: {  	_ =	shalt  }
0x6c: {  	_ =	shalt  }
0x6d: {  	_ =	shalt  }
0x6e: {  	_ =	shalt  }
0x6f: {  	_ =	shalt  }
0x70: {  	_ =	shalt  }
0x71: {  	_ =	shalt  }
0x72: {  	_ =	shalt  }
0x73: {  	_ =	shalt  }
0x74: {  	_ =	shalt  }
0x75: {  	_ =	shalt  }
0x76: {  	_ =	shalt  }
0x77: {  	_ =	shalt  }
0x78: {  	_ =	shalt  }
0x79: {  	_ =	shalt  }
0x7a: {  	_ =	shalt  }
0x7b: {  	_ =	shalt  }
0x7c: {  	_ =	shalt  }
0x7d: {  	_ =	shalt  }
0x7e: {  	_ =	shalt  }
0x7f: {  	_ =	shalt  }
0x80: {  	_ =	shalt  }
0x81: {  	_ =	shalt  }
0x82: {  	_ =	shalt  }
0x83: {  	_ =	shalt  }
0x84: {  	_ =	shalt  }
0x85: {  	_ =	shalt  }
0x86: {  	_ =	shalt  }
0x87: {  	_ =	shalt  }
.Lfunc_end0:
.L_simem_size_0:
called_computation_lowered:
.L_overlay_start_0:
0x88: {  	s2 =	sld [smem:$0x3FD9]  }
0x89: {  	s3 =	sld [smem:$0x3FFE];
	_ =	sdelay $0x1  }
0x8a: {  	s1 =	srdreg.scid  }
0x8b: {  	s0 =	sand.u32 $0x1, s1  }
0x8c: {  	s17 =	sshll.u32 s0, $0xA;
	s2 =	sadd.s32 s3, s2  }
0x8d: {  	s2 =	sadd.s32 s2, s17  }
0x8e: {  	[smem:$0x3FC0] =	sst s2  }
0x8f: {  	_ = 	snop  }
0x90: {  	s2 =	sld [smem:$0x3FD0];
	(tm) =	ssettm $0x1  }
0x91: {  	s18 =	sld [smem:$0x3FFB];
	_ =	sdelay $0x3  }
0x92: {  	_ =	strace s18  }
0x93: {  	s3 =	sld [smem:$0x3FFC];
	_ =	sdelay $0x3  }
0x94: {  	_ =	strace s3  }
0x95: {  	s3 =	sld [smem:$0x3FFD];
	_ =	sdelay $0x3  }
0x96: {  	_ =	strace s3  }
0x97: {  	_ =	strace $0x8FFFFFFF  }
0x98: {  	s19 =	sld [smem:$0x3FDB];
	_ =	sdelay $0x1  }
0x99: {  	s4 =	simm.s32 $_scs_section_size  }
0x9a: {  	s5 =	simm.s32 $_size__tile_overlayer_lowered;
	s6 =	simm.s32 $_tile_overlayer_lowered  }
0x9b: {  	s22 =	simm.s32 $0x1BFF;
	s21 =	sshll.u32 s6, $0x1;
	s3 =	sadd.s32 s4, s19  }
0x9c: {  	s7 =	simm.s32 $0x0;
	s20 =	sshll.u32 s5, $0x1;
	s5 =	sadd.s32 s21, s3  }
0x9d: {  	[timem:s7], [sflag:s22] =	dma.local [hbm:s5], s20  }
0x9e: {  	_ =	swait.ge [sflag:s22], s20  }
0x9f: {  	s4 =	ssub.s32 $0x0, s20;
	[sflag:s22] =	ssyncset.done $0x0  }
0xa0: {  	[sflag:s22] =	ssyncadd.s32 s4;
	_ =	sdelay $0x1  }
0xa1: {  	s23 =	simm.s32 $0x1B8B  }
0xa2: {  	_ =	swait.ge [sflag:s23], $0x1  }
0xa3: {  	[sflag:s23] =	ssyncset.done $0x0  }
0xa4: {  	s25 =	simm.s32 $0x1B8E;
	s24 =	sld [smem:$0x3FFE];
	[sflag:s23] =	ssyncadd.s32 $0xFFFFFFFF  }
0xa5: {  	s26 =	simm.s32 $execute0_lowered;
	[smem:$0x3FD2] =	sst s25  }
0xa6: {  	s5 =	sshll.u32 s26, $0x1;
	_ =	strace $0x80000046;
	[dreg:$0x1] =	wrdreg $0xFFFFFFFF  }
0xa7: {  	s28 =	simm.s32 $_size_execute0_lowered;
	s3 =	sadd.s32 s3, s5;
	[dreg:$0x0] =	wrdreg $0x0  }
0xa8: {  	s5 =	sshll.u32 s28, $0x1;
	[dreg:$0x2] =	wrdreg s3  }
0xa9: {  	[dreg:$0x3] =	wrdreg s5  }
0xaa: {  	[dreg:$0x4] =	wrdreg $0xC0  }
0xab: {  	_ =	task [dreg:s7], $0x5FFFF  }
0xac: {  	[dreg:$0x1] =	wrdreg $0xFFFFFFFF  }
0xad: {  	[dreg:$0x0] =	wrdreg $0x60  }
0xae: {  	[dreg:$0x2] =	wrdreg s24  }
0xaf: {  	[dreg:$0x3] =	wrdreg s2  }
0xb0: {  	[dreg:$0x4] =	wrdreg $0x9  }
0xb1: {  	_ =	task.clear_ibuf [dreg:s7], $0x5FFFF;
	_ =	strace $0x90000046  }
0xb2: {  	s29 =	simm.s32 $0x9;
	_ =	strace $0x80000048  }
0xb3: {  	_ =	swait.ge [sflag:s29], $0x1  }
0xb4: {  	[sflag:s29] =	ssyncadd.s32 $0xFFFFFFFF  }
0xb5: {  	_ =	strace $0x90000048  }
0xb6: {  	_ =	sfence  }
0xb7: {  	s30 =	sld [smem:$0x0];
	_ =	sdelay $0x2  }
0xb8: {  	s31 =	sshll.u32 s1, $0xD;
	s1 =	sshrl.u32 s1, $0x2  }
0xb9: {  	s3 =	sand.u32 $0x4000, s31;
	s1 =	sadd.s32 s1, s30  }
0xba: {  	s0 =	sor.u32 s3, s0;
	s1 =	sshll.u32 s1, $0x11  }
0xbb: {  	s0 =	sor.u32 s1, s0  }
0xbc: {  	s0 =	sadd.s32 $0x8F2B, s0  }
0xbd: {  	[sflag:s0] =	ssyncadd.remote.s32 $0x1  }
0xbe: {  	_ =	sfence.sel $0xFFFF  }
0xbf: {  	[dreg:$0x0] =	wrdreg $0xFFFFFFFF;
	(pc) =	sbr.abs _section_cstart, $3  }
0xc0: {  	[dreg:$0x1] =	wrdreg $0xFFFFFFFF  }
0xc1: {  	_ =	task.clear_ibuf [dreg:s7], $0x2FFFF;
	_ =	strace $0x9FFFFFFF  }
0xc2: {  	(tm) =	ssettm $0x7FFFFFFF  }
0xc3: {  	_ =	shalt  }
tec
execute0_lowered:
.L_overlay_start_1:
0x0: {  	(tag) =	ssettag $0x1  }
0x1: {  	s0 =	srdreg.scid;
	s1 =	rddreg [dreg:$0x0]  }
0x2: {  	s2 =	stileid.u32;
	s4 =	rddreg [dreg:$0x1];
	s10 =	simm.s32 $0x400  }
0x3: {  	s16 =	simm.s32 $0xFC00;
	s17 =	simm.s32 $0x10400;
	s18 =	simm.s32 $0x10C00  }
0x4: {  	s19 =	simm.s32 $0x11400;
	s20 =	simm.s32 $0x11C00;
	s21 =	simm.s32 $0x12400  }
0x5: {  	s22 =	simm.s32 $0x12C00;
	s23 =	simm.s32 $0x13400;
	s24 =	simm.s32 $0x13C00  }
0x6: {  	s25 =	simm.s32 $0x14400;
	s28 =	simm.s32 $0x15400;
	s29 =	simm.s32 $0x15C00  }
0x7: {  	s30 =	simm.s32 $0x16400;
	s31 =	simm.s32 $0x16C00;
	s9 =	simm.s32 $0x2  }
0x8: {  	s11 =	simm.s32 $0x3;
	s12 =	simm.s32 $0x4;
	s0 =	sand.u32 $0x1, s0  }
0x9: {  	s14 =	simm.s32 $0x0;
	s2 =	sshll.u32 s2, $0xB;
	s3 =	sshll.u32 s0, $0xA  }
0xa: {  	s0 =	ssub.s32 $0x2, s0;
	s3 =	sor.u32 s3, s2;
	s2 =	simm.s32 $0x0  }
0xb: {  	s26 =	sshrl.u32 s0, $0x1;
	s5 =	sshrl.u32 s3, $0x3;
	[smem:$0x7FF] =	sst s2  }
0xc: {  	s3 =	sadd.s32 $0x1000, s1;
	s0 =	ssub.s32 s0, s26;
	s6 =	smul.u32 $0x300, s5  }
.Ltmp0:
0xd: {  	s26 =	simm.s32 $0x14C00;
	s4 =	sadd.s32 s4, s5;
	(pc) =	sbr.rel .LBB2_1-.Ltmp0, $4  }
0xe: {  	_ =	strace $0x80000047;
	s0 =	smax.u32 s0, $0x1;
	[dreg:$0x3] =	wrdreg s4  }
0xf: {  	v2 =	vlaneseq.u32;
	s5 =	sadd.s32 $0x1100, s1;
	[dreg:$0x4] =	wrdreg s0;
	s0 =	simm.s32 $0x17C00  }
0x10: {  	vm0 =	vmmov $0xffff;
	v1 =	vshrl.u32 v2, $0x3;
	s4 =	simm.s32 $0x1;
	s7 =	sadd.s32 s6, s1;
	s6 =	sadd.s32 $0x1200, s1  }
0x11: {  	v0 =	vand.u32 $0x7, v2;
	v2 =	vor.u32 $0x8, v2;
	v1 =	vmul.u32 $0x8, v1;
	s1 =	simm.s32 $0x17400;
	s8 =	sadd.s32 $0x1C00, s7;
	s7 =	simm.s32 $0xC400  }
.LBB2_4:
0x12: {  	_ =	swait.ge [sflag:s11], $0xC000  }
0x13: {  	[sflag:s11] =	ssyncset.done $0x0  }
0x14: {  	[sflag:s11] =	ssyncadd.s32 $0xFFFF4000  }
0x15: {  	_ =	swait.ge [sflag:s12], $0xC000  }
0x16: {  	s14 =	rddreg [dreg:$0x5]  }
0x17: {  	s13 =	rddreg [dreg:$0x4];
	s14 =	sadd.s32 $0x1, s14  }
0x18: {  	p0 =	sne.s32 s14, s13  }
.Ltmp1:
0x19: {  	_ = 	snop;
	(pc) =	sbr.rel @!p0 .LBB2_5-.Ltmp1, $3  }
0x1a: {  	_ =	sdelay $0x1  }
0x1b: {  	[sflag:s12] =	ssyncset.done $0x0  }
0x1c: {  	[sflag:s12] =	ssyncadd.s32 $0xFFFF4000  }
.LBB2_1:
0x1d: {  	[dreg:$0x5] =	wrdreg s14  }
0x1e: {  	s13 =	rddreg [dreg:$0x3];
	s14 =	simm.s32 $0x5  }
0x1f: {  	[tilespmem:s2], [sflag:$0x5] =	stream.linear.gather [hbm4b:s13+s2], $0x400, $0x38;
	[tilespmem:$0x18400] =	vst v63  }
0x20: {  	_ =	swait.ge [sflag:s14], $0x400  }
0x21: {  	[sflag:s14] =	ssyncset.done $0x0  }
0x22: {  	[sflag:s14] =	ssyncadd.s32 $0xFFFFFC00  }
0x23: {  	v3 =	vld [tilespmem:$0x0];
	_ =	sdelay $0x4  }
0x24: {  	v4 =	vshrl.u32 v3, $0x3  }
0x25: {  	v4 =	vmul.u32 $0x30, v4  }
0x26: {  	v3 =	vand.u32 $0x7, v3  }
0x27: {  	v3 =	vor.u32 v3, v4  }
0x28: {  	v4 =	vperm.xlane v3, v0;
	_ =	sdelay $0x1  }
0x29: {  	v4 =	vadd.s32 v1, v4;
	_ =	sdelay $0x3  }
0x2a: {  	v3 =	vperm.xlane v3, v2  }
0x2b: {  	[tilespmem:s10], [sflag:$0x1] =	stream.indirect_vreg.gather [hbm4b:s3+s2], $0x80, v4, vm0, $0xb8;
	[tilespmem:$0x18400] =	vst v63  }
0x2c: {  	s15 =	simm.s32 $0xC00;
	v3 =	vadd.s32 v1, v3  }
0x2d: {  	[tilespmem:s15], [sflag:$0x1] =	stream.indirect_vreg.gather [hbm4b:s5+s2], $0x80, v4, vm0, $0xb8;
	[tilespmem:$0x18400] =	vst v63  }
0x2e: {  	s14 =	simm.s32 $0x1400  }
0x2f: {  	[tilespmem:s14], [sflag:$0x1] =	stream.indirect_vreg.gather [hbm4b:s6+s2], $0x80, v4, vm0, $0xb8;
	[tilespmem:$0x18400] =	vst v63  }
0x30: {  	s15 =	simm.s32 $0x1C00  }
0x31: {  	[tilespmem:s15], [sflag:$0x1] =	stream.indirect_vreg.gather [hbm4b:s3+s2], $0x80, v3, vm0, $0xb8;
	[tilespmem:$0x18400] =	vst v63  }
0x32: {  	s14 =	simm.s32 $0x2400  }
0x33: {  	[tilespmem:s14], [sflag:$0x1] =	stream.indirect_vreg.gather [hbm4b:s5+s2], $0x80, v3, vm0, $0xb8;
	[tilespmem:$0x18400] =	vst v63  }
0x34: {  	s15 =	simm.s32 $0x2C00  }
0x35: {  	[tilespmem:s15], [sflag:$0x1] =	stream.indirect_vreg.gather [hbm4b:s6+s2], $0x80, v3, vm0, $0xb8;
	[tilespmem:$0x18400] =	vst v63  }
0x36: {  	v3 =	vld [tilespmem:$0x10];
	_ =	sdelay $0x4  }
0x37: {  	v57 =	vshrl.u32 v3, $0x3  }
0x38: {  	v4 =	vmul.u32 $0x30, v57  }
0x39: {  	v3 =	vand.u32 $0x7, v3  }
0x3a: {  	v3 =	vor.u32 v3, v4  }
0x3b: {  	v4 =	vperm.xlane v3, v0;
	_ =	sdelay $0x1  }
0x3c: {  	v4 =	vadd.s32 v1, v4;
	_ =	sdelay $0x3  }
0x3d: {  	s14 =	simm.s32 $0x3400;
	v3 =	vperm.xlane v3, v2  }
0x3e: {  	[tilespmem:s14], [sflag:$0x1] =	stream.indirect_vreg.gather [hbm4b:s3+s2], $0x80, v4, vm0, $0xb8;
	[tilespmem:$0x18400] =	vst v63  }
0x3f: {  	s15 =	simm.s32 $0x3C00;
	v3 =	vadd.s32 v1, v3  }
0x40: {  	[tilespmem:s15], [sflag:$0x1] =	stream.indirect_vreg.gather [hbm4b:s5+s2], $0x80, v4, vm0, $0xb8;
	[tilespmem:$0x18400] =	vst v63  }
0x41: {  	s14 =	simm.s32 $0x4400  }
0x42: {  	[tilespmem:s14], [sflag:$0x1] =	stream.indirect_vreg.gather [hbm4b:s6+s2], $0x80, v4, vm0, $0xb8;
	[tilespmem:$0x18400] =	vst v63  }
0x43: {  	s15 =	simm.s32 $0x4C00  }
0x44: {  	[tilespmem:s15], [sflag:$0x1] =	stream.indirect_vreg.gather [hbm4b:s3+s2], $0x80, v3, vm0, $0xb8;
	[tilespmem:$0x18400] =	vst v63  }
0x45: {  	s14 =	simm.s32 $0x5400  }
0x46: {  	[tilespmem:s14], [sflag:$0x1] =	stream.indirect_vreg.gather [hbm4b:s5+s2], $0x80, v3, vm0, $0xb8;
	[tilespmem:$0x18400] =	vst v63  }
0x47: {  	s15 =	simm.s32 $0x5C00  }
0x48: {  	[tilespmem:s15], [sflag:$0x1] =	stream.indirect_vreg.gather [hbm4b:s6+s2], $0x80, v3, vm0, $0xb8;
	[tilespmem:$0x18400] =	vst v63  }
0x49: {  	v3 =	vld [tilespmem:$0x20];
	_ =	sdelay $0x4  }
0x4a: {  	v58 =	vshrl.u32 v3, $0x3  }
0x4b: {  	v4 =	vmul.u32 $0x30, v58  }
0x4c: {  	v3 =	vand.u32 $0x7, v3  }
0x4d: {  	v3 =	vor.u32 v3, v4  }
0x4e: {  	v4 =	vperm.xlane v3, v0;
	_ =	sdelay $0x1  }
0x4f: {  	v4 =	vadd.s32 v1, v4;
	_ =	sdelay $0x3  }
0x50: {  	s14 =	simm.s32 $0x6400;
	v3 =	vperm.xlane v3, v2  }
0x51: {  	[tilespmem:s14], [sflag:$0x1] =	stream.indirect_vreg.gather [hbm4b:s3+s2], $0x80, v4, vm0, $0xb8;
	[tilespmem:$0x18400] =	vst v63  }
0x52: {  	s15 =	simm.s32 $0x6C00;
	v3 =	vadd.s32 v1, v3  }
0x53: {  	[tilespmem:s15], [sflag:$0x1] =	stream.indirect_vreg.gather [hbm4b:s5+s2], $0x80, v4, vm0, $0xb8;
	[tilespmem:$0x18400] =	vst v63  }
0x54: {  	s14 =	simm.s32 $0x7400  }
0x55: {  	[tilespmem:s14], [sflag:$0x1] =	stream.indirect_vreg.gather [hbm4b:s6+s2], $0x80, v4, vm0, $0xb8;
	[tilespmem:$0x18400] =	vst v63  }
0x56: {  	s15 =	simm.s32 $0x7C00  }
0x57: {  	[tilespmem:s15], [sflag:$0x1] =	stream.indirect_vreg.gather [hbm4b:s3+s2], $0x80, v3, vm0, $0xb8;
	[tilespmem:$0x18400] =	vst v63  }
0x58: {  	s14 =	simm.s32 $0x8400  }
0x59: {  	[tilespmem:s14], [sflag:$0x1] =	stream.indirect_vreg.gather [hbm4b:s5+s2], $0x80, v3, vm0, $0xb8;
	[tilespmem:$0x18400] =	vst v63  }
0x5a: {  	s15 =	simm.s32 $0x8C00  }
0x5b: {  	[tilespmem:s15], [sflag:$0x1] =	stream.indirect_vreg.gather [hbm4b:s6+s2], $0x80, v3, vm0, $0xb8;
	[tilespmem:$0x18400] =	vst v63  }
0x5c: {  	v3 =	vld [tilespmem:$0x30];
	_ =	sdelay $0x4  }
0x5d: {  	v59 =	vshrl.u32 v3, $0x3  }
0x5e: {  	v4 =	vmul.u32 $0x30, v59  }
0x5f: {  	v3 =	vand.u32 $0x7, v3  }
0x60: {  	v3 =	vor.u32 v3, v4  }
0x61: {  	v4 =	vperm.xlane v3, v0;
	_ =	sdelay $0x1  }
0x62: {  	v4 =	vadd.s32 v1, v4;
	_ =	sdelay $0x3  }
0x63: {  	s14 =	simm.s32 $0x9400;
	v3 =	vperm.xlane v3, v2  }
0x64: {  	[tilespmem:s14], [sflag:$0x1] =	stream.indirect_vreg.gather [hbm4b:s3+s2], $0x80, v4, vm0, $0xb8;
	[tilespmem:$0x18400] =	vst v63  }
0x65: {  	s15 =	simm.s32 $0x9C00;
	v3 =	vadd.s32 v1, v3  }
0x66: {  	[tilespmem:s15], [sflag:$0x1] =	stream.indirect_vreg.gather [hbm4b:s5+s2], $0x80, v4, vm0, $0xb8;
	[tilespmem:$0x18400] =	vst v63  }
0x67: {  	s14 =	simm.s32 $0xA400  }
0x68: {  	[tilespmem:s14], [sflag:$0x1] =	stream.indirect_vreg.gather [hbm4b:s6+s2], $0x80, v4, vm0, $0xb8;
	[tilespmem:$0x18400] =	vst v63  }
0x69: {  	s15 =	simm.s32 $0xAC00  }
0x6a: {  	[tilespmem:s15], [sflag:$0x1] =	stream.indirect_vreg.gather [hbm4b:s3+s2], $0x80, v3, vm0, $0xb8;
	[tilespmem:$0x18400] =	vst v63  }
0x6b: {  	s14 =	simm.s32 $0xB400  }
0x6c: {  	[tilespmem:s14], [sflag:$0x1] =	stream.indirect_vreg.gather [hbm4b:s5+s2], $0x80, v3, vm0, $0xb8;
	[tilespmem:$0x18400] =	vst v63  }
0x6d: {  	s15 =	simm.s32 $0xBC00  }
0x6e: {  	[tilespmem:s15], [sflag:$0x1] =	stream.indirect_vreg.gather [hbm4b:s6+s2], $0x80, v3, vm0, $0xb8;
	[tilespmem:$0x18400] =	vst v63  }
0x6f: {  	v3 =	vld [tilespmem:$0x40];
	_ =	sdelay $0x4  }
0x70: {  	v60 =	vshrl.u32 v3, $0x3  }
0x71: {  	v4 =	vmul.u32 $0x30, v60  }
0x72: {  	v3 =	vand.u32 $0x7, v3  }
0x73: {  	v3 =	vor.u32 v3, v4  }
0x74: {  	v4 =	vperm.xlane v3, v0;
	_ =	sdelay $0x1  }
0x75: {  	v4 =	vadd.s32 v1, v4;
	_ =	sdelay $0x3  }
0x76: {  	v3 =	vperm.xlane v3, v2  }
0x77: {  	[tilespmem:s7], [sflag:$0x2] =	stream.indirect_vreg.gather [hbm4b:s3+s2], $0x80, v4, vm0, $0xb8;
	[tilespmem:$0x18400] =	vst v63  }
0x78: {  	s14 =	simm.s32 $0xCC00;
	v3 =	vadd.s32 v1, v3  }
0x79: {  	[tilespmem:s14], [sflag:$0x2] =	stream.indirect_vreg.gather [hbm4b:s5+s2], $0x80, v4, vm0, $0xb8;
	[tilespmem:$0x18400] =	vst v63  }
0x7a: {  	s15 =	simm.s32 $0xD400  }
0x7b: {  	[tilespmem:s15], [sflag:$0x2] =	stream.indirect_vreg.gather [hbm4b:s6+s2], $0x80, v4, vm0, $0xb8;
	[tilespmem:$0x18400] =	vst v63  }
0x7c: {  	s14 =	simm.s32 $0xDC00  }
0x7d: {  	[tilespmem:s14], [sflag:$0x2] =	stream.indirect_vreg.gather [hbm4b:s3+s2], $0x80, v3, vm0, $0xb8;
	[tilespmem:$0x18400] =	vst v63  }
0x7e: {  	s15 =	simm.s32 $0xE400  }
0x7f: {  	[tilespmem:s15], [sflag:$0x2] =	stream.indirect_vreg.gather [hbm4b:s5+s2], $0x80, v3, vm0, $0xb8;
	[tilespmem:$0x18400] =	vst v63  }
0x80: {  	s14 =	simm.s32 $0xEC00  }
0x81: {  	[tilespmem:s14], [sflag:$0x2] =	stream.indirect_vreg.gather [hbm4b:s6+s2], $0x80, v3, vm0, $0xb8;
	[tilespmem:$0x18400] =	vst v63  }
0x82: {  	v3 =	vld [tilespmem:$0x50];
	_ =	sdelay $0x4  }
0x83: {  	v61 =	vshrl.u32 v3, $0x3  }
0x84: {  	v4 =	vmul.u32 $0x30, v61  }
0x85: {  	v3 =	vand.u32 $0x7, v3  }
0x86: {  	v3 =	vor.u32 v3, v4  }
0x87: {  	v4 =	vperm.xlane v3, v0;
	_ =	sdelay $0x1  }
0x88: {  	v4 =	vadd.s32 v1, v4;
	_ =	sdelay $0x3  }
0x89: {  	s15 =	simm.s32 $0xF400;
	v3 =	vperm.xlane v3, v2  }
0x8a: {  	[tilespmem:s15], [sflag:$0x2] =	stream.indirect_vreg.gather [hbm4b:s3+s2], $0x80, v4, vm0, $0xb8;
	[tilespmem:$0x18400] =	vst v63  }
0x8b: {  	v3 =	vadd.s32 v1, v3  }
0x8c: {  	[tilespmem:s16], [sflag:$0x2] =	stream.indirect_vreg.gather [hbm4b:s5+s2], $0x80, v4, vm0, $0xb8;
	[tilespmem:$0x18400] =	vst v63  }
0x8d: {  	_ = 	snop  }
0x8e: {  	[tilespmem:s17], [sflag:$0x2] =	stream.indirect_vreg.gather [hbm4b:s6+s2], $0x80, v4, vm0, $0xb8;
	[tilespmem:$0x18400] =	vst v63  }
0x8f: {  	_ = 	snop  }
0x90: {  	[tilespmem:s18], [sflag:$0x2] =	stream.indirect_vreg.gather [hbm4b:s3+s2], $0x80, v3, vm0, $0xb8;
	[tilespmem:$0x18400] =	vst v63  }
0x91: {  	_ = 	snop  }
0x92: {  	[tilespmem:s19], [sflag:$0x2] =	stream.indirect_vreg.gather [hbm4b:s5+s2], $0x80, v3, vm0, $0xb8;
	[tilespmem:$0x18400] =	vst v63  }
0x93: {  	_ = 	snop  }
0x94: {  	[tilespmem:s20], [sflag:$0x2] =	stream.indirect_vreg.gather [hbm4b:s6+s2], $0x80, v3, vm0, $0xb8;
	[tilespmem:$0x18400] =	vst v63  }
0x95: {  	v3 =	vld [tilespmem:$0x60];
	_ =	sdelay $0x4  }
0x96: {  	v62 =	vshrl.u32 v3, $0x3  }
0x97: {  	v4 =	vmul.u32 $0x30, v62  }
0x98: {  	v3 =	vand.u32 $0x7, v3  }
0x99: {  	v3 =	vor.u32 v3, v4  }
0x9a: {  	v4 =	vperm.xlane v3, v0;
	_ =	sdelay $0x1  }
0x9b: {  	v4 =	vadd.s32 v1, v4;
	_ =	sdelay $0x3  }
0x9c: {  	v3 =	vperm.xlane v3, v2  }
0x9d: {  	[tilespmem:s21], [sflag:$0x2] =	stream.indirect_vreg.gather [hbm4b:s3+s2], $0x80, v4, vm0, $0xb8;
	[tilespmem:$0x18400] =	vst v63  }
0x9e: {  	v3 =	vadd.s32 v1, v3  }
0x9f: {  	[tilespmem:s22], [sflag:$0x2] =	stream.indirect_vreg.gather [hbm4b:s5+s2], $0x80, v4, vm0, $0xb8;
	[tilespmem:$0x18400] =	vst v63  }
0xa0: {  	_ = 	snop  }
0xa1: {  	[tilespmem:s23], [sflag:$0x2] =	stream.indirect_vreg.gather [hbm4b:s6+s2], $0x80, v4, vm0, $0xb8;
	[tilespmem:$0x18400] =	vst v63  }
0xa2: {  	_ = 	snop  }
0xa3: {  	[tilespmem:s24], [sflag:$0x2] =	stream.indirect_vreg.gather [hbm4b:s3+s2], $0x80, v3, vm0, $0xb8;
	[tilespmem:$0x18400] =	vst v63  }
0xa4: {  	_ = 	snop  }
0xa5: {  	[tilespmem:s25], [sflag:$0x2] =	stream.indirect_vreg.gather [hbm4b:s5+s2], $0x80, v3, vm0, $0xb8;
	[tilespmem:$0x18400] =	vst v63  }
0xa6: {  	_ = 	snop  }
0xa7: {  	[tilespmem:s26], [sflag:$0x2] =	stream.indirect_vreg.gather [hbm4b:s6+s2], $0x80, v3, vm0, $0xb8;
	[tilespmem:$0x18400] =	vst v63  }
0xa8: {  	v3 =	vld [tilespmem:$0x70];
	_ =	sdelay $0x4  }
0xa9: {  	v63 =	vshrl.u32 v3, $0x3  }
0xaa: {  	v4 =	vmul.u32 $0x30, v63  }
0xab: {  	v3 =	vand.u32 $0x7, v3  }
0xac: {  	v3 =	vor.u32 v3, v4  }
0xad: {  	v4 =	vperm.xlane v3, v0;
	_ =	sdelay $0x1  }
0xae: {  	v4 =	vadd.s32 v1, v4;
	_ =	sdelay $0x3  }
0xaf: {  	v3 =	vperm.xlane v3, v2  }
0xb0: {  	[tilespmem:s28], [sflag:$0x2] =	stream.indirect_vreg.gather [hbm4b:s3+s2], $0x80, v4, vm0, $0xb8;
	[tilespmem:$0x18400] =	vst v63  }
0xb1: {  	v3 =	vadd.s32 v1, v3  }
0xb2: {  	[tilespmem:s29], [sflag:$0x2] =	stream.indirect_vreg.gather [hbm4b:s5+s2], $0x80, v4, vm0, $0xb8;
	[tilespmem:$0x18400] =	vst v63  }
0xb3: {  	_ = 	snop  }
0xb4: {  	[tilespmem:s30], [sflag:$0x2] =	stream.indirect_vreg.gather [hbm4b:s6+s2], $0x80, v4, vm0, $0xb8;
	[tilespmem:$0x18400] =	vst v63  }
0xb5: {  	_ = 	snop  }
0xb6: {  	[tilespmem:s31], [sflag:$0x2] =	stream.indirect_vreg.gather [hbm4b:s3+s2], $0x80, v3, vm0, $0xb8;
	[tilespmem:$0x18400] =	vst v63  }
0xb7: {  	_ = 	snop  }
0xb8: {  	[tilespmem:s1], [sflag:$0x2] =	stream.indirect_vreg.gather [hbm4b:s5+s2], $0x80, v3, vm0, $0xb8;
	[tilespmem:$0x18400] =	vst v63  }
0xb9: {  	s13 =	simm.s32 $0xF0;
	s14 =	simm.s32 $0x0  }
0xba: {  	[tilespmem:s0], [sflag:$0x2] =	stream.indirect_vreg.gather [hbm4b:s6+s2], $0x80, v3, vm0, $0xb8;
	[tilespmem:$0x18400] =	vst v63  }
.LBB2_2:
0xbb: {  	_ =	swait.ge [sflag:s4], $0xC000  }
0xbc: {  	[sflag:s4] =	ssyncset.done $0x0  }
0xbd: {  	s15 =	sadd.s32 s14, s8;
	p0 =	seq.s32 s14, $0x15000;
	[sflag:s4] =	ssyncadd.s32 $0xFFFF4000  }
0xbe: {  	[hbm4b:s15+s2] =	stream.linear.scatter [tilespmem:s10], [sflag:$0x3], $0xC000, $0x38;
	[tilespmem:$0x18400] =	vst v63  }
.Ltmp2:
0xbf: {  	_ = 	snop;
	(pc) =	sbr.rel @p0 .LBB2_4-.Ltmp2, $4  }
0xc0: {  	_ =	swait.ge [sflag:s9], $0xC000  }
0xc1: {  	[sflag:s9] =	ssyncset.done $0x0  }
0xc2: {  	s15 =	sadd.s32 $0x1800, s15;
	[sflag:s9] =	ssyncadd.s32 $0xFFFF4000  }
0xc3: {  	[hbm4b:s15+s2] =	stream.linear.scatter [tilespmem:s7], [sflag:$0x4], $0xC000, $0x38;
	[tilespmem:$0x18400] =	vst v63  }
0xc4: {  	_ =	swait.ge [sflag:s11], $0xC000  }
0xc5: {  	[sflag:s11] =	ssyncset.done $0x0  }
0xc6: {  	[sflag:s11] =	ssyncadd.s32 $0xFFFF4000  }
0xc7: {  	v3 =	vld [tilespmem:s13+$0xFFFFFF90];
	_ =	sdelay $0x4  }
0xc8: {  	v4 =	vshrl.u32 v3, $0x3  }
0xc9: {  	v4 =	vmul.u32 $0x30, v4  }
0xca: {  	v3 =	vand.u32 $0x7, v3  }
0xcb: {  	v3 =	vor.u32 v3, v4  }
0xcc: {  	v4 =	vperm.xlane v3, v0;
	_ =	sdelay $0x1  }
0xcd: {  	v4 =	vadd.s32 v1, v4;
	_ =	sdelay $0x3  }
0xce: {  	v3 =	vperm.xlane v3, v2  }
0xcf: {  	[tilespmem:s10], [sflag:$0x1] =	stream.indirect_vreg.gather [hbm4b:s3+s2], $0x80, v4, vm0, $0xb8;
	[tilespmem:$0x18400] =	vst v63  }
0xd0: {  	s15 =	simm.s32 $0xC00;
	v3 =	vadd.s32 v1, v3  }
0xd1: {  	[tilespmem:s15], [sflag:$0x1] =	stream.indirect_vreg.gather [hbm4b:s5+s2], $0x80, v4, vm0, $0xb8;
	[tilespmem:$0x18400] =	vst v63  }
0xd2: {  	s15 =	simm.s32 $0x1400  }
0xd3: {  	[tilespmem:s15], [sflag:$0x1] =	stream.indirect_vreg.gather [hbm4b:s6+s2], $0x80, v4, vm0, $0xb8;
	[tilespmem:$0x18400] =	vst v63  }
0xd4: {  	s15 =	simm.s32 $0x1C00  }
0xd5: {  	[tilespmem:s15], [sflag:$0x1] =	stream.indirect_vreg.gather [hbm4b:s3+s2], $0x80, v3, vm0, $0xb8;
	[tilespmem:$0x18400] =	vst v63  }
0xd6: {  	s15 =	simm.s32 $0x2400  }
0xd7: {  	[tilespmem:s15], [sflag:$0x1] =	stream.indirect_vreg.gather [hbm4b:s5+s2], $0x80, v3, vm0, $0xb8;
	[tilespmem:$0x18400] =	vst v63  }
0xd8: {  	s15 =	simm.s32 $0x2C00  }
0xd9: {  	[tilespmem:s15], [sflag:$0x1] =	stream.indirect_vreg.gather [hbm4b:s6+s2], $0x80, v3, vm0, $0xb8;
	[tilespmem:$0x18400] =	vst v63  }
0xda: {  	v3 =	vld [tilespmem:s13+$0xFFFFFFA0];
	_ =	sdelay $0x4  }
0xdb: {  	v57 =	vshrl.u32 v3, $0x3  }
0xdc: {  	v4 =	vmul.u32 $0x30, v57  }
0xdd: {  	v3 =	vand.u32 $0x7, v3  }
0xde: {  	v3 =	vor.u32 v3, v4  }
0xdf: {  	v4 =	vperm.xlane v3, v0;
	_ =	sdelay $0x1  }
0xe0: {  	v4 =	vadd.s32 v1, v4;
	_ =	sdelay $0x3  }
0xe1: {  	s15 =	simm.s32 $0x3400;
	v3 =	vperm.xlane v3, v2  }
0xe2: {  	[tilespmem:s15], [sflag:$0x1] =	stream.indirect_vreg.gather [hbm4b:s3+s2], $0x80, v4, vm0, $0xb8;
	[tilespmem:$0x18400] =	vst v63  }
0xe3: {  	v3 =	vadd.s32 v1, v3;
	s15 =	simm.s32 $0x3C00  }
0xe4: {  	[tilespmem:s15], [sflag:$0x1] =	stream.indirect_vreg.gather [hbm4b:s5+s2], $0x80, v4, vm0, $0xb8;
	[tilespmem:$0x18400] =	vst v63  }
0xe5: {  	s15 =	simm.s32 $0x4400  }
0xe6: {  	[tilespmem:s15], [sflag:$0x1] =	stream.indirect_vreg.gather [hbm4b:s6+s2], $0x80, v4, vm0, $0xb8;
	[tilespmem:$0x18400] =	vst v63  }
0xe7: {  	s15 =	simm.s32 $0x4C00  }
0xe8: {  	[tilespmem:s15], [sflag:$0x1] =	stream.indirect_vreg.gather [hbm4b:s3+s2], $0x80, v3, vm0, $0xb8;
	[tilespmem:$0x18400] =	vst v63  }
0xe9: {  	s15 =	simm.s32 $0x5400  }
0xea: {  	[tilespmem:s15], [sflag:$0x1] =	stream.indirect_vreg.gather [hbm4b:s5+s2], $0x80, v3, vm0, $0xb8;
	[tilespmem:$0x18400] =	vst v63  }
0xeb: {  	s15 =	simm.s32 $0x5C00  }
0xec: {  	[tilespmem:s15], [sflag:$0x1] =	stream.indirect_vreg.gather [hbm4b:s6+s2], $0x80, v3, vm0, $0xb8;
	[tilespmem:$0x18400] =	vst v63  }
0xed: {  	v3 =	vld [tilespmem:s13+$0xFFFFFFB0];
	_ =	sdelay $0x4  }
0xee: {  	v58 =	vshrl.u32 v3, $0x3  }
0xef: {  	v4 =	vmul.u32 $0x30, v58  }
0xf0: {  	v3 =	vand.u32 $0x7, v3  }
0xf1: {  	v3 =	vor.u32 v3, v4  }
0xf2: {  	v4 =	vperm.xlane v3, v0;
	_ =	sdelay $0x1  }
0xf3: {  	v4 =	vadd.s32 v1, v4;
	_ =	sdelay $0x3  }
0xf4: {  	s15 =	simm.s32 $0x6400;
	v3 =	vperm.xlane v3, v2  }
0xf5: {  	[tilespmem:s15], [sflag:$0x1] =	stream.indirect_vreg.gather [hbm4b:s3+s2], $0x80, v4, vm0, $0xb8;
	[tilespmem:$0x18400] =	vst v63  }
0xf6: {  	v3 =	vadd.s32 v1, v3;
	s15 =	simm.s32 $0x6C00  }
0xf7: {  	[tilespmem:s15], [sflag:$0x1] =	stream.indirect_vreg.gather [hbm4b:s5+s2], $0x80, v4, vm0, $0xb8;
	[tilespmem:$0x18400] =	vst v63  }
0xf8: {  	s15 =	simm.s32 $0x7400  }
0xf9: {  	[tilespmem:s15], [sflag:$0x1] =	stream.indirect_vreg.gather [hbm4b:s6+s2], $0x80, v4, vm0, $0xb8;
	[tilespmem:$0x18400] =	vst v63  }
0xfa: {  	s15 =	simm.s32 $0x7C00  }
0xfb: {  	[tilespmem:s15], [sflag:$0x1] =	stream.indirect_vreg.gather [hbm4b:s3+s2], $0x80, v3, vm0, $0xb8;
	[tilespmem:$0x18400] =	vst v63  }
0xfc: {  	s15 =	simm.s32 $0x8400  }
0xfd: {  	[tilespmem:s15], [sflag:$0x1] =	stream.indirect_vreg.gather [hbm4b:s5+s2], $0x80, v3, vm0, $0xb8;
	[tilespmem:$0x18400] =	vst v63  }
0xfe: {  	s15 =	simm.s32 $0x8C00  }
0xff: {  	[tilespmem:s15], [sflag:$0x1] =	stream.indirect_vreg.gather [hbm4b:s6+s2], $0x80, v3, vm0, $0xb8;
	[tilespmem:$0x18400] =	vst v63  }
0x100: {  	v3 =	vld [tilespmem:s13+$0xFFFFFFC0];
	_ =	sdelay $0x4  }
0x101: {  	v59 =	vshrl.u32 v3, $0x3  }
0x102: {  	v4 =	vmul.u32 $0x30, v59  }
0x103: {  	v3 =	vand.u32 $0x7, v3  }
0x104: {  	v3 =	vor.u32 v3, v4  }
0x105: {  	v4 =	vperm.xlane v3, v0;
	_ =	sdelay $0x1  }
0x106: {  	v4 =	vadd.s32 v1, v4;
	_ =	sdelay $0x3  }
0x107: {  	s15 =	simm.s32 $0x9400;
	v3 =	vperm.xlane v3, v2  }
0x108: {  	[tilespmem:s15], [sflag:$0x1] =	stream.indirect_vreg.gather [hbm4b:s3+s2], $0x80, v4, vm0, $0xb8;
	[tilespmem:$0x18400] =	vst v63  }
0x109: {  	v3 =	vadd.s32 v1, v3;
	s15 =	simm.s32 $0x9C00  }
0x10a: {  	[tilespmem:s15], [sflag:$0x1] =	stream.indirect_vreg.gather [hbm4b:s5+s2], $0x80, v4, vm0, $0xb8;
	[tilespmem:$0x18400] =	vst v63  }
0x10b: {  	s15 =	simm.s32 $0xA400  }
0x10c: {  	[tilespmem:s15], [sflag:$0x1] =	stream.indirect_vreg.gather [hbm4b:s6+s2], $0x80, v4, vm0, $0xb8;
	[tilespmem:$0x18400] =	vst v63  }
0x10d: {  	s15 =	simm.s32 $0xAC00  }
0x10e: {  	[tilespmem:s15], [sflag:$0x1] =	stream.indirect_vreg.gather [hbm4b:s3+s2], $0x80, v3, vm0, $0xb8;
	[tilespmem:$0x18400] =	vst v63  }
0x10f: {  	s15 =	simm.s32 $0xB400  }
0x110: {  	[tilespmem:s15], [sflag:$0x1] =	stream.indirect_vreg.gather [hbm4b:s5+s2], $0x80, v3, vm0, $0xb8;
	[tilespmem:$0x18400] =	vst v63  }
0x111: {  	s15 =	simm.s32 $0xBC00  }
0x112: {  	[tilespmem:s15], [sflag:$0x1] =	stream.indirect_vreg.gather [hbm4b:s6+s2], $0x80, v3, vm0, $0xb8;
	[tilespmem:$0x18400] =	vst v63  }
0x113: {  	_ =	swait.ge [sflag:s12], $0xC000  }
0x114: {  	[sflag:s12] =	ssyncset.done $0x0  }
0x115: {  	[sflag:s12] =	ssyncadd.s32 $0xFFFF4000  }
0x116: {  	v3 =	vld [tilespmem:s13+$0xFFFFFFD0];
	_ =	sdelay $0x4  }
0x117: {  	v60 =	vshrl.u32 v3, $0x3  }
0x118: {  	v4 =	vmul.u32 $0x30, v60  }
0x119: {  	v3 =	vand.u32 $0x7, v3  }
0x11a: {  	v3 =	vor.u32 v3, v4  }
0x11b: {  	v4 =	vperm.xlane v3, v0;
	_ =	sdelay $0x1  }
0x11c: {  	v4 =	vadd.s32 v1, v4;
	_ =	sdelay $0x3  }
0x11d: {  	v3 =	vperm.xlane v3, v2  }
0x11e: {  	[tilespmem:s7], [sflag:$0x2] =	stream.indirect_vreg.gather [hbm4b:s3+s2], $0x80, v4, vm0, $0xb8;
	[tilespmem:$0x18400] =	vst v63  }
0x11f: {  	s15 =	simm.s32 $0xCC00;
	v3 =	vadd.s32 v1, v3  }
0x120: {  	[tilespmem:s15], [sflag:$0x2] =	stream.indirect_vreg.gather [hbm4b:s5+s2], $0x80, v4, vm0, $0xb8;
	[tilespmem:$0x18400] =	vst v63  }
0x121: {  	s15 =	simm.s32 $0xD400  }
0x122: {  	[tilespmem:s15], [sflag:$0x2] =	stream.indirect_vreg.gather [hbm4b:s6+s2], $0x80, v4, vm0, $0xb8;
	[tilespmem:$0x18400] =	vst v63  }
0x123: {  	s15 =	simm.s32 $0xDC00  }
0x124: {  	[tilespmem:s15], [sflag:$0x2] =	stream.indirect_vreg.gather [hbm4b:s3+s2], $0x80, v3, vm0, $0xb8;
	[tilespmem:$0x18400] =	vst v63  }
0x125: {  	s15 =	simm.s32 $0xE400  }
0x126: {  	[tilespmem:s15], [sflag:$0x2] =	stream.indirect_vreg.gather [hbm4b:s5+s2], $0x80, v3, vm0, $0xb8;
	[tilespmem:$0x18400] =	vst v63  }
0x127: {  	s15 =	simm.s32 $0xEC00  }
0x128: {  	[tilespmem:s15], [sflag:$0x2] =	stream.indirect_vreg.gather [hbm4b:s6+s2], $0x80, v3, vm0, $0xb8;
	[tilespmem:$0x18400] =	vst v63  }
0x129: {  	v3 =	vld [tilespmem:s13+$0xFFFFFFE0];
	_ =	sdelay $0x4  }
0x12a: {  	v61 =	vshrl.u32 v3, $0x3  }
0x12b: {  	v4 =	vmul.u32 $0x30, v61  }
0x12c: {  	v3 =	vand.u32 $0x7, v3  }
0x12d: {  	v3 =	vor.u32 v3, v4  }
0x12e: {  	v4 =	vperm.xlane v3, v0;
	_ =	sdelay $0x1  }
0x12f: {  	v4 =	vadd.s32 v1, v4;
	_ =	sdelay $0x3  }
0x130: {  	s15 =	simm.s32 $0xF400;
	v3 =	vperm.xlane v3, v2  }
0x131: {  	[tilespmem:s15], [sflag:$0x2] =	stream.indirect_vreg.gather [hbm4b:s3+s2], $0x80, v4, vm0, $0xb8;
	[tilespmem:$0x18400] =	vst v63  }
0x132: {  	v3 =	vadd.s32 v1, v3  }
0x133: {  	[tilespmem:s16], [sflag:$0x2] =	stream.indirect_vreg.gather [hbm4b:s5+s2], $0x80, v4, vm0, $0xb8;
	[tilespmem:$0x18400] =	vst v63  }
0x134: {  	_ = 	snop  }
0x135: {  	[tilespmem:s17], [sflag:$0x2] =	stream.indirect_vreg.gather [hbm4b:s6+s2], $0x80, v4, vm0, $0xb8;
	[tilespmem:$0x18400] =	vst v63  }
0x136: {  	_ = 	snop  }
0x137: {  	[tilespmem:s18], [sflag:$0x2] =	stream.indirect_vreg.gather [hbm4b:s3+s2], $0x80, v3, vm0, $0xb8;
	[tilespmem:$0x18400] =	vst v63  }
0x138: {  	_ = 	snop  }
0x139: {  	[tilespmem:s19], [sflag:$0x2] =	stream.indirect_vreg.gather [hbm4b:s5+s2], $0x80, v3, vm0, $0xb8;
	[tilespmem:$0x18400] =	vst v63  }
0x13a: {  	_ = 	snop  }
0x13b: {  	[tilespmem:s20], [sflag:$0x2] =	stream.indirect_vreg.gather [hbm4b:s6+s2], $0x80, v3, vm0, $0xb8;
	[tilespmem:$0x18400] =	vst v63  }
0x13c: {  	v3 =	vld [tilespmem:s13+$0xFFFFFFF0];
	_ =	sdelay $0x4  }
0x13d: {  	v62 =	vshrl.u32 v3, $0x3  }
0x13e: {  	v4 =	vmul.u32 $0x30, v62  }
0x13f: {  	v3 =	vand.u32 $0x7, v3  }
0x140: {  	v3 =	vor.u32 v3, v4  }
0x141: {  	v4 =	vperm.xlane v3, v0;
	_ =	sdelay $0x1  }
0x142: {  	v4 =	vadd.s32 v1, v4;
	_ =	sdelay $0x3  }
0x143: {  	v3 =	vperm.xlane v3, v2  }
0x144: {  	[tilespmem:s21], [sflag:$0x2] =	stream.indirect_vreg.gather [hbm4b:s3+s2], $0x80, v4, vm0, $0xb8;
	[tilespmem:$0x18400] =	vst v63  }
0x145: {  	v3 =	vadd.s32 v1, v3  }
0x146: {  	[tilespmem:s22], [sflag:$0x2] =	stream.indirect_vreg.gather [hbm4b:s5+s2], $0x80, v4, vm0, $0xb8;
	[tilespmem:$0x18400] =	vst v63  }
0x147: {  	_ = 	snop  }
0x148: {  	[tilespmem:s23], [sflag:$0x2] =	stream.indirect_vreg.gather [hbm4b:s6+s2], $0x80, v4, vm0, $0xb8;
	[tilespmem:$0x18400] =	vst v63  }
0x149: {  	_ = 	snop  }
0x14a: {  	[tilespmem:s24], [sflag:$0x2] =	stream.indirect_vreg.gather [hbm4b:s3+s2], $0x80, v3, vm0, $0xb8;
	[tilespmem:$0x18400] =	vst v63  }
0x14b: {  	_ = 	snop  }
0x14c: {  	[tilespmem:s25], [sflag:$0x2] =	stream.indirect_vreg.gather [hbm4b:s5+s2], $0x80, v3, vm0, $0xb8;
	[tilespmem:$0x18400] =	vst v63  }
0x14d: {  	_ = 	snop  }
0x14e: {  	[tilespmem:s26], [sflag:$0x2] =	stream.indirect_vreg.gather [hbm4b:s6+s2], $0x80, v3, vm0, $0xb8;
	[tilespmem:$0x18400] =	vst v63  }
0x14f: {  	v3 =	vld [tilespmem:s13+$0x0];
	_ =	sdelay $0x4  }
0x150: {  	v63 =	vshrl.u32 v3, $0x3  }
0x151: {  	v4 =	vmul.u32 $0x30, v63  }
0x152: {  	v3 =	vand.u32 $0x7, v3  }
0x153: {  	v3 =	vor.u32 v3, v4  }
0x154: {  	v4 =	vperm.xlane v3, v0;
	_ =	sdelay $0x1  }
0x155: {  	v4 =	vadd.s32 v1, v4;
	_ =	sdelay $0x3  }
0x156: {  	v3 =	vperm.xlane v3, v2  }
0x157: {  	[tilespmem:s28], [sflag:$0x2] =	stream.indirect_vreg.gather [hbm4b:s3+s2], $0x80, v4, vm0, $0xb8;
	[tilespmem:$0x18400] =	vst v63  }
0x158: {  	v3 =	vadd.s32 v1, v3  }
0x159: {  	[tilespmem:s29], [sflag:$0x2] =	stream.indirect_vreg.gather [hbm4b:s5+s2], $0x80, v4, vm0, $0xb8;
	[tilespmem:$0x18400] =	vst v63  }
0x15a: {  	s14 =	sadd.s32 $0x3000, s14  }
0x15b: {  	[tilespmem:s30], [sflag:$0x2] =	stream.indirect_vreg.gather [hbm4b:s6+s2], $0x80, v4, vm0, $0xb8;
	[tilespmem:$0x18400] =	vst v63  }
0x15c: {  	p0 =	sne.s32 s14, $0x18000  }
0x15d: {  	[tilespmem:s31], [sflag:$0x2] =	stream.indirect_vreg.gather [hbm4b:s3+s2], $0x80, v3, vm0, $0xb8;
	[tilespmem:$0x18400] =	vst v63  }
.Ltmp3:
0x15e: {  	_ = 	snop;
	(pc) =	sbr.rel @p0 .LBB2_2-.Ltmp3, $4  }
.Ltmp4:
0x15f: {  	_ = 	snop;
	(pc) =	sbr.rel @!p0 .LBB2_4-.Ltmp4, $4  }
0x160: {  	[tilespmem:s1], [sflag:$0x2] =	stream.indirect_vreg.gather [hbm4b:s5+s2], $0x80, v3, vm0, $0xb8;
	[tilespmem:$0x18400] =	vst v63  }
0x161: {  	s13 =	sadd.s32 $0x80, s13  }
0x162: {  	[tilespmem:s0], [sflag:$0x2] =	stream.indirect_vreg.gather [hbm4b:s6+s2], $0x80, v3, vm0, $0xb8;
	[tilespmem:$0x18400] =	vst v63  }
0x163: {  	_ = 	snop  }
.LBB2_5:
0x164: {  	_ =	sfence.sel $0x180000  }
0x165: {  	[bflag:$0x0] =	sbarrier.arrive $0xFFFF  }
0x166: {  	_ =	strace $0x90000047  }
0x167: {  	s0 =	stileid.u32;
	[bflag:$0x2] =	sbarrier.arrive $0xFFFF  }
0x168: {  	p0 =	sne.s32 s0, $0x0;
	s0 =	rddreg [dreg:$0x2]  }
0x169: {  	s0 =	sadd.s32 @!p0 $0x100000, s0  }
0x16a: {  	[sflag:s0] =	ssyncadd.tile.s32 @!p0 $0x1;
	_ =	shalt  }
.Lfunc_end2:
_tile_overlayer_lowered:
.L_overlay_start_2:
0x16b: {  	(tag) =	ssettag $0x2  }
0x16c: {  	s0 =	rddreg [dreg:$0x0];
	s2 =	stileid.u32  }
0x16d: {  	s1 =	rddreg [dreg:$0x1];
	p0 =	sne.s32 s2, $0x0  }
0x16e: {  	s3 =	rddreg [dreg:$0x2];
	[bflag:$0x3] =	sbarrier.arrive $0xFFFF;
	s2 =	simm.s32 @!p0 $0x1C05  }
0x16f: {  	[timem:s3], [sflag:s2] =	dma.local @!p0 [hbm:s0], s1  }
0x170: {  	s0 =	simm.s32 @!p0 $0x5  }
0x171: {  	_ =	swait.ge @!p0 [sflag:s0], s1  }
0x172: {  	s1 =	ssub.s32 @!p0 $0x0, s1;
	[sflag:s0] =	ssyncset.done @!p0 $0x0  }
0x173: {  	[sflag:s0] =	ssyncadd.s32 @!p0 s1  }
0x174: {  	[bflag:$0x3] =	sbarrier.arrive $0xFFFF  }
0x175: {  	_ =	shalt  }

</sc_bundles>
